<compile_context>
chip_gen: v7x
topology: tpu7x:2x2x1
jax: 0.10.2.dev20260603
libtpu: 0.0.44.dev20260713+nightly
codegen_flags: <defaults>
</compile_context>

<pallas_src>
import functools

import jax
import jax.numpy as jnp
from jax import lax
from jax.experimental import pallas as pl
from jax.experimental.pallas import tpu as pltpu
from jax.experimental.pallas import tpu_sc as plsc

D_MODEL = 128


def _tab_body(wc_ref, wo_ref, we_ref, weo_ref, tc_ref, te_ref):
    tc_ref[...] = wc_ref[...][:, None, :] + wo_ref[...][None, :, :]
    te_ref[...] = we_ref[...][:, None, :] + weo_ref[...][None, :, :]


def _build_tab(W_cperm, W_cori, W_eperm, W_eori):
    tab_c, tab_e = pl.pallas_call(
        _tab_body,
        out_shape=[
            jax.ShapeDtypeStruct((8, 3, D_MODEL), jnp.float32),
            jax.ShapeDtypeStruct((12, 2, D_MODEL), jnp.float32),
        ],
    )(W_cperm, W_cori, W_eperm, W_eori)
    return jnp.concatenate(
        [tab_c.reshape(24, D_MODEL), tab_e.reshape(24, D_MODEL)], axis=0
    )


def kernel(tokens, W_cperm, W_cori, W_eperm, W_eori):
    tokens = tokens.astype(jnp.int32)
    B, T = tokens.shape
    J = 20

    tab = _build_tab(W_cperm, W_cori, W_eperm, W_eori)
    tok_flat = tokens.reshape(-1)

    info = plsc.get_sparse_core_info()
    NC, NS = info.num_cores, info.num_subcores
    NW = NC * NS
    rows_w = B // NW
    out_rows_w = rows_w * J
    n_chunks = out_rows_w // 128

    mesh = plsc.VectorSubcoreMesh(core_axis_name="c", subcore_axis_name="s")

    @functools.partial(
        pl.kernel,
        out_type=jax.ShapeDtypeStruct((B * J, D_MODEL), jnp.float32),
        mesh=mesh,
        compiler_params=pltpu.CompilerParams(
            use_tc_tiling_on_sc=False, needs_layout_passes=False
        ),
        scratch_types=[
            pltpu.VMEM((rows_w * T,), jnp.int32),
            pltpu.VMEM((n_chunks, 128), jnp.int32),
            pltpu.VMEM((128, D_MODEL), jnp.float32),
            pltpu.SemaphoreType.DMA,
        ],
    )
    def run(tok_hbm, tab_hbm, out_hbm, tok_v, idx_v, rows_v, sem):
        wid = lax.axis_index("s") * NC + lax.axis_index("c")
        pltpu.sync_copy(tok_hbm.at[pl.ds(wid * (rows_w * T), rows_w * T)], tok_v)

        lanes = lax.iota(jnp.int32, 16)

        def idx_body(g, carry):
            r = g * 16 + lanes
            rb = r * T
            pr = r * J
            for j in range(8):
                a = plsc.load_gather(tok_v, [rb + j])
                b = plsc.load_gather(tok_v, [rb + (j + 8)])
                p = pr + j
                plsc.store_scatter(idx_v, [p >> 7, p & 127], a * 3 + b)
            for j in range(12):
                a = plsc.load_gather(tok_v, [rb + (16 + j)])
                b = plsc.load_gather(tok_v, [rb + (28 + j)])
                p = pr + (8 + j)
                plsc.store_scatter(idx_v, [p >> 7, p & 127], a * 2 + b + 24)
            return carry

        lax.fori_loop(0, rows_w // 16, idx_body, 0)

        out_base = wid * out_rows_w

        def gather_body(c, carry):
            pltpu.async_copy(tab_hbm.at[idx_v.at[c]], rows_v, sem).wait()
            pltpu.sync_copy(rows_v, out_hbm.at[pl.ds(out_base + c * 128, 128)])
            return carry

        lax.fori_loop(0, n_chunks, gather_body, 0)

    out = run(tok_flat, tab)
    return out.reshape(B, J, D_MODEL)

# --- scband reference (transcript-rebuilt; emitter-appended) ---
"""Pipeline reference for scband-cubie-token-embedding-67903432949859 (READ-ONLY COPY).

The authoritative reference and input builder live on the scoring server;
editing this copy changes nothing except your own understanding.
"""

import jax, jax.numpy as jnp
import numpy as np

D_MODEL = 128
BATCH = 16384

def setup_inputs(seed: int = 0) -> dict:
    key = jax.random.key(seed)
    k_tok, k1, k2, k3, k4 = jax.random.split(key, 5)
    # fill_max=2 keeps all token values in-range for every sub-table
    # (corner_perm < 8, corner_ori < 3, edge_perm < 12, edge_ori < 2)
    tokens = jax.random.randint(k_tok, (BATCH, 40), 0, 2, dtype=jnp.int64)
    W_cperm = jax.random.normal(k1, (8, D_MODEL), dtype=jnp.float32)
    W_cori = jax.random.normal(k2, (3, D_MODEL), dtype=jnp.float32)
    W_eperm = jax.random.normal(k3, (12, D_MODEL), dtype=jnp.float32)
    W_eori = jax.random.normal(k4, (2, D_MODEL), dtype=jnp.float32)
    return {"tokens": tokens, "W_cperm": W_cperm, "W_cori": W_cori,
            "W_eperm": W_eperm, "W_eori": W_eori}

def reference(tokens, W_cperm, W_cori, W_eperm, W_eori):
    cperm = tokens[:, 0:8]
    cori = tokens[:, 8:16]
    eperm = tokens[:, 16:28]
    eori = tokens[:, 28:40]
    corners = jnp.take(W_cperm, cperm, axis=0) + jnp.take(W_cori, cori, axis=0)
    edges = jnp.take(W_eperm, eperm, axis=0) + jnp.take(W_eori, eori, axis=0)
    return jnp.concatenate([corners, edges], axis=1)

if __name__ == "__main__":
    import jax
    _d = setup_inputs()
    print(jax.jit(kernel)(*tuple(_d.values())))

</pallas_src>

<mosaic_0001>
#map = affine_map<(d0, d1) -> (0)>
#map1 = affine_map<(d0, d1) -> (0, 0)>
module attributes {stable_mosaic.version = 14 : i64} {
  func.func @run(%arg0: i32, %arg1: i32, %arg2: memref<655360xi32, #tpu.memory_space<hbm>>, %arg3: memref<48x128xf32, #tpu.memory_space<hbm>>, %arg4: memref<327680x128xf32, #tpu.memory_space<hbm>>, %arg5: memref<20480xi32, #tpu.memory_space<vmem>>, %arg6: memref<80x128xi32, #tpu.memory_space<vmem>>, %arg7: memref<128x128xf32, #tpu.memory_space<vmem>>, %arg8: memref<!tpu.dma_semaphore, #tpu.memory_space<semaphore_mem>>) attributes {dimension_semantics = [#tpu.dimension_semantics<core_parallel>, #tpu.dimension_semantics<subcore_parallel>], iteration_bounds = array<i64: 2, 16>, scalar_prefetch = 0 : i64, scratch_operands = 4 : i64, tpu.core_type = #tpu.core_type<sc_vector_subcore>, window_params = [{transform_indices = #map}, {transform_indices = #map1}, {transform_indices = #map1}]} {
    %mul3A = arith.constant 2 : i32
    %mul3A_0 = arith.muli %arg1, %mul3A : i32
    %add3A = arith.addi %mul3A_0, %arg0 : i32
    %mul3A_1 = arith.constant 20480 : i32
    %mul3A_2 = arith.muli %add3A, %mul3A_1 : i32
    "tpu.region"() ({
      %run_scoped3A = tpu.sem_alloc : memref<!tpu.dma_semaphore, #tpu.memory_space<semaphore_mem>>
      %dma_start3A = tpu.memref_slice %arg2[%mul3A_2] : memref<655360xi32, #tpu.memory_space<hbm>> -> memref<20480xi32, #tpu.memory_space<hbm>>
      %dma_start3A_16 = tpu.memref_slice %arg2[%mul3A_2] : memref<655360xi32, #tpu.memory_space<hbm>> -> memref<20480xi32, #tpu.memory_space<hbm>>
      tpu.enqueue_dma source(%dma_start3A_16 : memref<20480xi32, #tpu.memory_space<hbm>>) target(%arg5 : memref<20480xi32, #tpu.memory_space<vmem>>) target_semaphore(%run_scoped3A : memref<!tpu.dma_semaphore, #tpu.memory_space<semaphore_mem>>)
      %dma_wait3A = tpu.memref_slice %arg2[%mul3A_2] : memref<655360xi32, #tpu.memory_space<hbm>> -> memref<20480xi32, #tpu.memory_space<hbm>>
      %dma_wait3A_17 = tpu.memref_slice %arg2[%mul3A_2] : memref<655360xi32, #tpu.memory_space<hbm>> -> memref<20480xi32, #tpu.memory_space<hbm>>
      tpu.wait_dma2 semaphore(%run_scoped3A : memref<!tpu.dma_semaphore, #tpu.memory_space<semaphore_mem>>) src(%dma_wait3A_17 : memref<20480xi32, #tpu.memory_space<hbm>>) dst(%arg5 : memref<20480xi32, #tpu.memory_space<vmem>>)
      tpu.yield
    }) : () -> ()
    %iota3A = tpu.iota {dimensions = array<i32: 0>} : vector<16xi32>
    %scan3A = arith.constant 0 : i32
    %scan3A_3 = arith.constant 0 : i32
    %scan3A_4 = arith.constant 32 : i32
    %scan3A_5 = arith.addi %scan3A_3, %scan3A_4 : i32
    %scan3A_6 = arith.constant 1 : i32
    scf.for %scan3A_16 = %scan3A_3 to %scan3A_5 step %scan3A_6  : i32 {
      %mul3A_17 = arith.constant 16 : i32
      %mul3A_18 = arith.muli %scan3A_16, %mul3A_17 : i32
      %add3A_19 = vector.broadcast %mul3A_18 : i32 to vector<16xi32>
      %add3A_20 = arith.addi %add3A_19, %iota3A : vector<16xi32>
      %mul3A_21 = arith.constant 40 : i32
      %mul3A_22 = vector.broadcast %mul3A_21 : i32 to vector<16xi32>
      %mul3A_23 = arith.muli %add3A_20, %mul3A_22 : vector<16xi32>
      %mul3A_24 = arith.constant 20 : i32
      %mul3A_25 = vector.broadcast %mul3A_24 : i32 to vector<16xi32>
      %mul3A_26 = arith.muli %add3A_20, %mul3A_25 : vector<16xi32>
      %add3A_27 = arith.constant 0 : i32
      %add3A_28 = vector.broadcast %add3A_27 : i32 to vector<16xi32>
      %add3A_29 = arith.addi %mul3A_23, %add3A_28 : vector<16xi32>
      %gather3A = tpu.vector_load_idx %arg5[%add3A_29] : memref<20480xi32, #tpu.memory_space<vmem>>[vector<16xi32>], vector<16xi32>,
      %add3A_30 = arith.constant 8 : i32
      %add3A_31 = vector.broadcast %add3A_30 : i32 to vector<16xi32>
      %add3A_32 = arith.addi %mul3A_23, %add3A_31 : vector<16xi32>
      %gather3A_33 = tpu.vector_load_idx %arg5[%add3A_32] : memref<20480xi32, #tpu.memory_space<vmem>>[vector<16xi32>], vector<16xi32>,
      %add3A_34 = arith.constant 0 : i32
      %add3A_35 = vector.broadcast %add3A_34 : i32 to vector<16xi32>
      %add3A_36 = arith.addi %mul3A_26, %add3A_35 : vector<16xi32>
      %shift_right_arithmetic3A = arith.constant 7 : i32
      %shift_right_arithmetic3A_37 = vector.broadcast %shift_right_arithmetic3A : i32 to vector<16xi32>
      %shift_right_arithmetic3A_38 = arith.shrsi %add3A_36, %shift_right_arithmetic3A_37 : vector<16xi32>
      %and3A = arith.constant 127 : i32
      %and3A_39 = vector.broadcast %and3A : i32 to vector<16xi32>
      %and3A_40 = arith.andi %add3A_36, %and3A_39 : vector<16xi32>
      %mul3A_41 = arith.constant 3 : i32
      %mul3A_42 = vector.broadcast %mul3A_41 : i32 to vector<16xi32>
      %mul3A_43 = arith.muli %gather3A, %mul3A_42 : vector<16xi32>
      %add3A_44 = arith.addi %mul3A_43, %gather3A_33 : vector<16xi32>
      tpu.vector_store_idx %arg6[%shift_right_arithmetic3A_38, %and3A_40], %add3A_44 : memref<80x128xi32, #tpu.memory_space<vmem>>[vector<16xi32>, vector<16xi32>], vector<16xi32>,
      %add3A_45 = arith.constant 1 : i32
      %add3A_46 = vector.broadcast %add3A_45 : i32 to vector<16xi32>
      %add3A_47 = arith.addi %mul3A_23, %add3A_46 : vector<16xi32>
      %gather3A_48 = tpu.vector_load_idx %arg5[%add3A_47] : memref<20480xi32, #tpu.memory_space<vmem>>[vector<16xi32>], vector<16xi32>,
      %add3A_49 = arith.constant 9 : i32
      %add3A_50 = vector.broadcast %add3A_49 : i32 to vector<16xi32>
      %add3A_51 = arith.addi %mul3A_23, %add3A_50 : vector<16xi32>
      %gather3A_52 = tpu.vector_load_idx %arg5[%add3A_51] : memref<20480xi32, #tpu.memory_space<vmem>>[vector<16xi32>], vector<16xi32>,
      %add3A_53 = arith.constant 1 : i32
      %add3A_54 = vector.broadcast %add3A_53 : i32 to vector<16xi32>
      %add3A_55 = arith.addi %mul3A_26, %add3A_54 : vector<16xi32>
      %shift_right_arithmetic3A_56 = arith.constant 7 : i32
      %shift_right_arithmetic3A_57 = vector.broadcast %shift_right_arithmetic3A_56 : i32 to vector<16xi32>
      %shift_right_arithmetic3A_58 = arith.shrsi %add3A_55, %shift_right_arithmetic3A_57 : vector<16xi32>
      %and3A_59 = arith.constant 127 : i32
      %and3A_60 = vector.broadcast %and3A_59 : i32 to vector<16xi32>
      %and3A_61 = arith.andi %add3A_55, %and3A_60 : vector<16xi32>
      %mul3A_62 = arith.constant 3 : i32
      %mul3A_63 = vector.broadcast %mul3A_62 : i32 to vector<16xi32>
      %mul3A_64 = arith.muli %gather3A_48, %mul3A_63 : vector<16xi32>
      %add3A_65 = arith.addi %mul3A_64, %gather3A_52 : vector<16xi32>
      tpu.vector_store_idx %arg6[%shift_right_arithmetic3A_58, %and3A_61], %add3A_65 : memref<80x128xi32, #tpu.memory_space<vmem>>[vector<16xi32>, vector<16xi32>], vector<16xi32>,
      %add3A_66 = arith.constant 2 : i32
      %add3A_67 = vector.broadcast %add3A_66 : i32 to vector<16xi32>
      %add3A_68 = arith.addi %mul3A_23, %add3A_67 : vector<16xi32>
      %gather3A_69 = tpu.vector_load_idx %arg5[%add3A_68] : memref<20480xi32, #tpu.memory_space<vmem>>[vector<16xi32>], vector<16xi32>,
      %add3A_70 = arith.constant 10 : i32
      %add3A_71 = vector.broadcast %add3A_70 : i32 to vector<16xi32>
      %add3A_72 = arith.addi %mul3A_23, %add3A_71 : vector<16xi32>
      %gather3A_73 = tpu.vector_load_idx %arg5[%add3A_72] : memref<20480xi32, #tpu.memory_space<vmem>>[vector<16xi32>], vector<16xi32>,
      %add3A_74 = arith.constant 2 : i32
      %add3A_75 = vector.broadcast %add3A_74 : i32 to vector<16xi32>
      %add3A_76 = arith.addi %mul3A_26, %add3A_75 : vector<16xi32>
      %shift_right_arithmetic3A_77 = arith.constant 7 : i32
      %shift_right_arithmetic3A_78 = vector.broadcast %shift_right_arithmetic3A_77 : i32 to vector<16xi32>
      %shift_right_arithmetic3A_79 = arith.shrsi %add3A_76, %shift_right_arithmetic3A_78 : vector<16xi32>
      %and3A_80 = arith.constant 127 : i32
      %and3A_81 = vector.broadcast %and3A_80 : i32 to vector<16xi32>
      %and3A_82 = arith.andi %add3A_76, %and3A_81 : vector<16xi32>
      %mul3A_83 = arith.constant 3 : i32
      %mul3A_84 = vector.broadcast %mul3A_83 : i32 to vector<16xi32>
      %mul3A_85 = arith.muli %gather3A_69, %mul3A_84 : vector<16xi32>
      %add3A_86 = arith.addi %mul3A_85, %gather3A_73 : vector<16xi32>
      tpu.vector_store_idx %arg6[%shift_right_arithmetic3A_79, %and3A_82], %add3A_86 : memref<80x128xi32, #tpu.memory_space<vmem>>[vector<16xi32>, vector<16xi32>], vector<16xi32>,
      %add3A_87 = arith.constant 3 : i32
      %add3A_88 = vector.broadcast %add3A_87 : i32 to vector<16xi32>
      %add3A_89 = arith.addi %mul3A_23, %add3A_88 : vector<16xi32>
      %gather3A_90 = tpu.vector_load_idx %arg5[%add3A_89] : memref<20480xi32, #tpu.memory_space<vmem>>[vector<16xi32>], vector<16xi32>,
      %add3A_91 = arith.constant 11 : i32
      %add3A_92 = vector.broadcast %add3A_91 : i32 to vector<16xi32>
      %add3A_93 = arith.addi %mul3A_23, %add3A_92 : vector<16xi32>
      %gather3A_94 = tpu.vector_load_idx %arg5[%add3A_93] : memref<20480xi32, #tpu.memory_space<vmem>>[vector<16xi32>], vector<16xi32>,
      %add3A_95 = arith.constant 3 : i32
      %add3A_96 = vector.broadcast %add3A_95 : i32 to vector<16xi32>
      %add3A_97 = arith.addi %mul3A_26, %add3A_96 : vector<16xi32>
      %shift_right_arithmetic3A_98 = arith.constant 7 : i32
      %shift_right_arithmetic3A_99 = vector.broadcast %shift_right_arithmetic3A_98 : i32 to vector<16xi32>
      %shift_right_arithmetic3A_100 = arith.shrsi %add3A_97, %shift_right_arithmetic3A_99 : vector<16xi32>
      %and3A_101 = arith.constant 127 : i32
      %and3A_102 = vector.broadcast %and3A_101 : i32 to vector<16xi32>
      %and3A_103 = arith.andi %add3A_97, %and3A_102 : vector<16xi32>
      %mul3A_104 = arith.constant 3 : i32
      %mul3A_105 = vector.broadcast %mul3A_104 : i32 to vector<16xi32>
      %mul3A_106 = arith.muli %gather3A_90, %mul3A_105 : vector<16xi32>
      %add3A_107 = arith.addi %mul3A_106, %gather3A_94 : vector<16xi32>
      tpu.vector_store_idx %arg6[%shift_right_arithmetic3A_100, %and3A_103], %add3A_107 : memref<80x128xi32, #tpu.memory_space<vmem>>[vector<16xi32>, vector<16xi32>], vector<16xi32>,
      %add3A_108 = arith.constant 4 : i32
      %add3A_109 = vector.broadcast %add3A_108 : i32 to vector<16xi32>
      %add3A_110 = arith.addi %mul3A_23, %add3A_109 : vector<16xi32>
      %gather3A_111 = tpu.vector_load_idx %arg5[%add3A_110] : memref<20480xi32, #tpu.memory_space<vmem>>[vector<16xi32>], vector<16xi32>,
      %add3A_112 = arith.constant 12 : i32
      %add3A_113 = vector.broadcast %add3A_112 : i32 to vector<16xi32>
      %add3A_114 = arith.addi %mul3A_23, %add3A_113 : vector<16xi32>
      %gather3A_115 = tpu.vector_load_idx %arg5[%add3A_114] : memref<20480xi32, #tpu.memory_space<vmem>>[vector<16xi32>], vector<16xi32>,
      %add3A_116 = arith.constant 4 : i32
      %add3A_117 = vector.broadcast %add3A_116 : i32 to vector<16xi32>
      %add3A_118 = arith.addi %mul3A_26, %add3A_117 : vector<16xi32>
      %shift_right_arithmetic3A_119 = arith.constant 7 : i32
      %shift_right_arithmetic3A_120 = vector.broadcast %shift_right_arithmetic3A_119 : i32 to vector<16xi32>
      %shift_right_arithmetic3A_121 = arith.shrsi %add3A_118, %shift_right_arithmetic3A_120 : vector<16xi32>
      %and3A_122 = arith.constant 127 : i32
      %and3A_123 = vector.broadcast %and3A_122 : i32 to vector<16xi32>
      %and3A_124 = arith.andi %add3A_118, %and3A_123 : vector<16xi32>
      %mul3A_125 = arith.constant 3 : i32
      %mul3A_126 = vector.broadcast %mul3A_125 : i32 to vector<16xi32>
      %mul3A_127 = arith.muli %gather3A_111, %mul3A_126 : vector<16xi32>
      %add3A_128 = arith.addi %mul3A_127, %gather3A_115 : vector<16xi32>
      tpu.vector_store_idx %arg6[%shift_right_arithmetic3A_121, %and3A_124], %add3A_128 : memref<80x128xi32, #tpu.memory_space<vmem>>[vector<16xi32>, vector<16xi32>], vector<16xi32>,
      %add3A_129 = arith.constant 5 : i32
      %add3A_130 = vector.broadcast %add3A_129 : i32 to vector<16xi32>
      %add3A_131 = arith.addi %mul3A_23, %add3A_130 : vector<16xi32>
      %gather3A_132 = tpu.vector_load_idx %arg5[%add3A_131] : memref<20480xi32, #tpu.memory_space<vmem>>[vector<16xi32>], vector<16xi32>,
      %add3A_133 = arith.constant 13 : i32
      %add3A_134 = vector.broadcast %add3A_133 : i32 to vector<16xi32>
      %add3A_135 = arith.addi %mul3A_23, %add3A_134 : vector<16xi32>
      %gather3A_136 = tpu.vector_load_idx %arg5[%add3A_135] : memref<20480xi32, #tpu.memory_space<vmem>>[vector<16xi32>], vector<16xi32>,
      %add3A_137 = arith.constant 5 : i32
      %add3A_138 = vector.broadcast %add3A_137 : i32 to vector<16xi32>
      %add3A_139 = arith.addi %mul3A_26, %add3A_138 : vector<16xi32>
      %shift_right_arithmetic3A_140 = arith.constant 7 : i32
      %shift_right_arithmetic3A_141 = vector.broadcast %shift_right_arithmetic3A_140 : i32 to vector<16xi32>
      %shift_right_arithmetic3A_142 = arith.shrsi %add3A_139, %shift_right_arithmetic3A_141 : vector<16xi32>
      %and3A_143 = arith.constant 127 : i32
      %and3A_144 = vector.broadcast %and3A_143 : i32 to vector<16xi32>
      %and3A_145 = arith.andi %add3A_139, %and3A_144 : vector<16xi32>
      %mul3A_146 = arith.constant 3 : i32
      %mul3A_147 = vector.broadcast %mul3A_146 : i32 to vector<16xi32>
      %mul3A_148 = arith.muli %gather3A_132, %mul3A_147 : vector<16xi32>
      %add3A_149 = arith.addi %mul3A_148, %gather3A_136 : vector<16xi32>
      tpu.vector_store_idx %arg6[%shift_right_arithmetic3A_142, %and3A_145], %add3A_149 : memref<80x128xi32, #tpu.memory_space<vmem>>[vector<16xi32>, vector<16xi32>], vector<16xi32>,
      %add3A_150 = arith.constant 6 : i32
      %add3A_151 = vector.broadcast %add3A_150 : i32 to vector<16xi32>
      %add3A_152 = arith.addi %mul3A_23, %add3A_151 : vector<16xi32>
      %gather3A_153 = tpu.vector_load_idx %arg5[%add3A_152] : memref<20480xi32, #tpu.memory_space<vmem>>[vector<16xi32>], vector<16xi32>,
      %add3A_154 = arith.constant 14 : i32
      %add3A_155 = vector.broadcast %add3A_154 : i32 to vector<16xi32>
      %add3A_156 = arith.addi %mul3A_23, %add3A_155 : vector<16xi32>
      %gather3A_157 = tpu.vector_load_idx %arg5[%add3A_156] : memref<20480xi32, #tpu.memory_space<vmem>>[vector<16xi32>], vector<16xi32>,
      %add3A_158 = arith.constant 6 : i32
      %add3A_159 = vector.broadcast %add3A_158 : i32 to vector<16xi32>
      %add3A_160 = arith.addi %mul3A_26, %add3A_159 : vector<16xi32>
      %shift_right_arithmetic3A_161 = arith.constant 7 : i32
      %shift_right_arithmetic3A_162 = vector.broadcast %shift_right_arithmetic3A_161 : i32 to vector<16xi32>
      %shift_right_arithmetic3A_163 = arith.shrsi %add3A_160, %shift_right_arithmetic3A_162 : vector<16xi32>
      %and3A_164 = arith.constant 127 : i32
      %and3A_165 = vector.broadcast %and3A_164 : i32 to vector<16xi32>
      %and3A_166 = arith.andi %add3A_160, %and3A_165 : vector<16xi32>
      %mul3A_167 = arith.constant 3 : i32
      %mul3A_168 = vector.broadcast %mul3A_167 : i32 to vector<16xi32>
      %mul3A_169 = arith.muli %gather3A_153, %mul3A_168 : vector<16xi32>
      %add3A_170 = arith.addi %mul3A_169, %gather3A_157 : vector<16xi32>
      tpu.vector_store_idx %arg6[%shift_right_arithmetic3A_163, %and3A_166], %add3A_170 : memref<80x128xi32, #tpu.memory_space<vmem>>[vector<16xi32>, vector<16xi32>], vector<16xi32>,
      %add3A_171 = arith.constant 7 : i32
      %add3A_172 = vector.broadcast %add3A_171 : i32 to vector<16xi32>
      %add3A_173 = arith.addi %mul3A_23, %add3A_172 : vector<16xi32>
      %gather3A_174 = tpu.vector_load_idx %arg5[%add3A_173] : memref<20480xi32, #tpu.memory_space<vmem>>[vector<16xi32>], vector<16xi32>,
      %add3A_175 = arith.constant 15 : i32
      %add3A_176 = vector.broadcast %add3A_175 : i32 to vector<16xi32>
      %add3A_177 = arith.addi %mul3A_23, %add3A_176 : vector<16xi32>
      %gather3A_178 = tpu.vector_load_idx %arg5[%add3A_177] : memref<20480xi32, #tpu.memory_space<vmem>>[vector<16xi32>], vector<16xi32>,
      %add3A_179 = arith.constant 7 : i32
      %add3A_180 = vector.broadcast %add3A_179 : i32 to vector<16xi32>
      %add3A_181 = arith.addi %mul3A_26, %add3A_180 : vector<16xi32>
      %shift_right_arithmetic3A_182 = arith.constant 7 : i32
      %shift_right_arithmetic3A_183 = vector.broadcast %shift_right_arithmetic3A_182 : i32 to vector<16xi32>
      %shift_right_arithmetic3A_184 = arith.shrsi %add3A_181, %shift_right_arithmetic3A_183 : vector<16xi32>
      %and3A_185 = arith.constant 127 : i32
      %and3A_186 = vector.broadcast %and3A_185 : i32 to vector<16xi32>
      %and3A_187 = arith.andi %add3A_181, %and3A_186 : vector<16xi32>
      %mul3A_188 = arith.constant 3 : i32
      %mul3A_189 = vector.broadcast %mul3A_188 : i32 to vector<16xi32>
      %mul3A_190 = arith.muli %gather3A_174, %mul3A_189 : vector<16xi32>
      %add3A_191 = arith.addi %mul3A_190, %gather3A_178 : vector<16xi32>
      tpu.vector_store_idx %arg6[%shift_right_arithmetic3A_184, %and3A_187], %add3A_191 : memref<80x128xi32, #tpu.memory_space<vmem>>[vector<16xi32>, vector<16xi32>], vector<16xi32>,
      %add3A_192 = arith.constant 16 : i32
      %add3A_193 = vector.broadcast %add3A_192 : i32 to vector<16xi32>
      %add3A_194 = arith.addi %mul3A_23, %add3A_193 : vector<16xi32>
      %gather3A_195 = tpu.vector_load_idx %arg5[%add3A_194] : memref<20480xi32, #tpu.memory_space<vmem>>[vector<16xi32>], vector<16xi32>,
      %add3A_196 = arith.constant 28 : i32
      %add3A_197 = vector.broadcast %add3A_196 : i32 to vector<16xi32>
      %add3A_198 = arith.addi %mul3A_23, %add3A_197 : vector<16xi32>
      %gather3A_199 = tpu.vector_load_idx %arg5[%add3A_198] : memref<20480xi32, #tpu.memory_space<vmem>>[vector<16xi32>], vector<16xi32>,
      %add3A_200 = arith.constant 8 : i32
      %add3A_201 = vector.broadcast %add3A_200 : i32 to vector<16xi32>
      %add3A_202 = arith.addi %mul3A_26, %add3A_201 : vector<16xi32>
      %shift_right_arithmetic3A_203 = arith.constant 7 : i32
      %shift_right_arithmetic3A_204 = vector.broadcast %shift_right_arithmetic3A_203 : i32 to vector<16xi32>
      %shift_right_arithmetic3A_205 = arith.shrsi %add3A_202, %shift_right_arithmetic3A_204 : vector<16xi32>
      %and3A_206 = arith.constant 127 : i32
      %and3A_207 = vector.broadcast %and3A_206 : i32 to vector<16xi32>
      %and3A_208 = arith.andi %add3A_202, %and3A_207 : vector<16xi32>
      %mul3A_209 = arith.constant 2 : i32
      %mul3A_210 = vector.broadcast %mul3A_209 : i32 to vector<16xi32>
      %mul3A_211 = arith.muli %gather3A_195, %mul3A_210 : vector<16xi32>
      %add3A_212 = arith.addi %mul3A_211, %gather3A_199 : vector<16xi32>
      %add3A_213 = arith.constant 24 : i32
      %add3A_214 = vector.broadcast %add3A_213 : i32 to vector<16xi32>
      %add3A_215 = arith.addi %add3A_212, %add3A_214 : vector<16xi32>
      tpu.vector_store_idx %arg6[%shift_right_arithmetic3A_205, %and3A_208], %add3A_215 : memref<80x128xi32, #tpu.memory_space<vmem>>[vector<16xi32>, vector<16xi32>], vector<16xi32>,
      %add3A_216 = arith.constant 17 : i32
      %add3A_217 = vector.broadcast %add3A_216 : i32 to vector<16xi32>
      %add3A_218 = arith.addi %mul3A_23, %add3A_217 : vector<16xi32>
      %gather3A_219 = tpu.vector_load_idx %arg5[%add3A_218] : memref<20480xi32, #tpu.memory_space<vmem>>[vector<16xi32>], vector<16xi32>,
      %add3A_220 = arith.constant 29 : i32
      %add3A_221 = vector.broadcast %add3A_220 : i32 to vector<16xi32>
      %add3A_222 = arith.addi %mul3A_23, %add3A_221 : vector<16xi32>
      %gather3A_223 = tpu.vector_load_idx %arg5[%add3A_222] : memref<20480xi32, #tpu.memory_space<vmem>>[vector<16xi32>], vector<16xi32>,
      %add3A_224 = arith.constant 9 : i32
      %add3A_225 = vector.broadcast %add3A_224 : i32 to vector<16xi32>
      %add3A_226 = arith.addi %mul3A_26, %add3A_225 : vector<16xi32>
      %shift_right_arithmetic3A_227 = arith.constant 7 : i32
      %shift_right_arithmetic3A_228 = vector.broadcast %shift_right_arithmetic3A_227 : i32 to vector<16xi32>
      %shift_right_arithmetic3A_229 = arith.shrsi %add3A_226, %shift_right_arithmetic3A_228 : vector<16xi32>
      %and3A_230 = arith.constant 127 : i32
      %and3A_231 = vector.broadcast %and3A_230 : i32 to vector<16xi32>
      %and3A_232 = arith.andi %add3A_226, %and3A_231 : vector<16xi32>
      %mul3A_233 = arith.constant 2 : i32
      %mul3A_234 = vector.broadcast %mul3A_233 : i32 to vector<16xi32>
      %mul3A_235 = arith.muli %gather3A_219, %mul3A_234 : vector<16xi32>
      %add3A_236 = arith.addi %mul3A_235, %gather3A_223 : vector<16xi32>
      %add3A_237 = arith.constant 24 : i32
      %add3A_238 = vector.broadcast %add3A_237 : i32 to vector<16xi32>
      %add3A_239 = arith.addi %add3A_236, %add3A_238 : vector<16xi32>
      tpu.vector_store_idx %arg6[%shift_right_arithmetic3A_229, %and3A_232], %add3A_239 : memref<80x128xi32, #tpu.memory_space<vmem>>[vector<16xi32>, vector<16xi32>], vector<16xi32>,
      %add3A_240 = arith.constant 18 : i32
      %add3A_241 = vector.broadcast %add3A_240 : i32 to vector<16xi32>
      %add3A_242 = arith.addi %mul3A_23, %add3A_241 : vector<16xi32>
      %gather3A_243 = tpu.vector_load_idx %arg5[%add3A_242] : memref<20480xi32, #tpu.memory_space<vmem>>[vector<16xi32>], vector<16xi32>,
      %add3A_244 = arith.constant 30 : i32
      %add3A_245 = vector.broadcast %add3A_244 : i32 to vector<16xi32>
      %add3A_246 = arith.addi %mul3A_23, %add3A_245 : vector<16xi32>
      %gather3A_247 = tpu.vector_load_idx %arg5[%add3A_246] : memref<20480xi32, #tpu.memory_space<vmem>>[vector<16xi32>], vector<16xi32>,
      %add3A_248 = arith.constant 10 : i32
      %add3A_249 = vector.broadcast %add3A_248 : i32 to vector<16xi32>
      %add3A_250 = arith.addi %mul3A_26, %add3A_249 : vector<16xi32>
      %shift_right_arithmetic3A_251 = arith.constant 7 : i32
      %shift_right_arithmetic3A_252 = vector.broadcast %shift_right_arithmetic3A_251 : i32 to vector<16xi32>
      %shift_right_arithmetic3A_253 = arith.shrsi %add3A_250, %shift_right_arithmetic3A_252 : vector<16xi32>
      %and3A_254 = arith.constant 127 : i32
      %and3A_255 = vector.broadcast %and3A_254 : i32 to vector<16xi32>
      %and3A_256 = arith.andi %add3A_250, %and3A_255 : vector<16xi32>
      %mul3A_257 = arith.constant 2 : i32
      %mul3A_258 = vector.broadcast %mul3A_257 : i32 to vector<16xi32>
      %mul3A_259 = arith.muli %gather3A_243, %mul3A_258 : vector<16xi32>
      %add3A_260 = arith.addi %mul3A_259, %gather3A_247 : vector<16xi32>
      %add3A_261 = arith.constant 24 : i32
      %add3A_262 = vector.broadcast %add3A_261 : i32 to vector<16xi32>
      %add3A_263 = arith.addi %add3A_260, %add3A_262 : vector<16xi32>
      tpu.vector_store_idx %arg6[%shift_right_arithmetic3A_253, %and3A_256], %add3A_263 : memref<80x128xi32, #tpu.memory_space<vmem>>[vector<16xi32>, vector<16xi32>], vector<16xi32>,
      %add3A_264 = arith.constant 19 : i32
      %add3A_265 = vector.broadcast %add3A_264 : i32 to vector<16xi32>
      %add3A_266 = arith.addi %mul3A_23, %add3A_265 : vector<16xi32>
      %gather3A_267 = tpu.vector_load_idx %arg5[%add3A_266] : memref<20480xi32, #tpu.memory_space<vmem>>[vector<16xi32>], vector<16xi32>,
      %add3A_268 = arith.constant 31 : i32
      %add3A_269 = vector.broadcast %add3A_268 : i32 to vector<16xi32>
      %add3A_270 = arith.addi %mul3A_23, %add3A_269 : vector<16xi32>
      %gather3A_271 = tpu.vector_load_idx %arg5[%add3A_270] : memref<20480xi32, #tpu.memory_space<vmem>>[vector<16xi32>], vector<16xi32>,
      %add3A_272 = arith.constant 11 : i32
      %add3A_273 = vector.broadcast %add3A_272 : i32 to vector<16xi32>
      %add3A_274 = arith.addi %mul3A_26, %add3A_273 : vector<16xi32>
      %shift_right_arithmetic3A_275 = arith.constant 7 : i32
      %shift_right_arithmetic3A_276 = vector.broadcast %shift_right_arithmetic3A_275 : i32 to vector<16xi32>
      %shift_right_arithmetic3A_277 = arith.shrsi %add3A_274, %shift_right_arithmetic3A_276 : vector<16xi32>
      %and3A_278 = arith.constant 127 : i32
      %and3A_279 = vector.broadcast %and3A_278 : i32 to vector<16xi32>
      %and3A_280 = arith.andi %add3A_274, %and3A_279 : vector<16xi32>
      %mul3A_281 = arith.constant 2 : i32
      %mul3A_282 = vector.broadcast %mul3A_281 : i32 to vector<16xi32>
      %mul3A_283 = arith.muli %gather3A_267, %mul3A_282 : vector<16xi32>
      %add3A_284 = arith.addi %mul3A_283, %gather3A_271 : vector<16xi32>
      %add3A_285 = arith.constant 24 : i32
      %add3A_286 = vector.broadcast %add3A_285 : i32 to vector<16xi32>
      %add3A_287 = arith.addi %add3A_284, %add3A_286 : vector<16xi32>
      tpu.vector_store_idx %arg6[%shift_right_arithmetic3A_277, %and3A_280], %add3A_287 : memref<80x128xi32, #tpu.memory_space<vmem>>[vector<16xi32>, vector<16xi32>], vector<16xi32>,
      %add3A_288 = arith.constant 20 : i32
      %add3A_289 = vector.broadcast %add3A_288 : i32 to vector<16xi32>
      %add3A_290 = arith.addi %mul3A_23, %add3A_289 : vector<16xi32>
      %gather3A_291 = tpu.vector_load_idx %arg5[%add3A_290] : memref<20480xi32, #tpu.memory_space<vmem>>[vector<16xi32>], vector<16xi32>,
      %add3A_292 = arith.constant 32 : i32
      %add3A_293 = vector.broadcast %add3A_292 : i32 to vector<16xi32>
      %add3A_294 = arith.addi %mul3A_23, %add3A_293 : vector<16xi32>
      %gather3A_295 = tpu.vector_load_idx %arg5[%add3A_294] : memref<20480xi32, #tpu.memory_space<vmem>>[vector<16xi32>], vector<16xi32>,
      %add3A_296 = arith.constant 12 : i32
      %add3A_297 = vector.broadcast %add3A_296 : i32 to vector<16xi32>
      %add3A_298 = arith.addi %mul3A_26, %add3A_297 : vector<16xi32>
      %shift_right_arithmetic3A_299 = arith.constant 7 : i32
      %shift_right_arithmetic3A_300 = vector.broadcast %shift_right_arithmetic3A_299 : i32 to vector<16xi32>
      %shift_right_arithmetic3A_301 = arith.shrsi %add3A_298, %shift_right_arithmetic3A_300 : vector<16xi32>
      %and3A_302 = arith.constant 127 : i32
      %and3A_303 = vector.broadcast %and3A_302 : i32 to vector<16xi32>
      %and3A_304 = arith.andi %add3A_298, %and3A_303 : vector<16xi32>
      %mul3A_305 = arith.constant 2 : i32
      %mul3A_306 = vector.broadcast %mul3A_305 : i32 to vector<16xi32>
      %mul3A_307 = arith.muli %gather3A_291, %mul3A_306 : vector<16xi32>
      %add3A_308 = arith.addi %mul3A_307, %gather3A_295 : vector<16xi32>
      %add3A_309 = arith.constant 24 : i32
      %add3A_310 = vector.broadcast %add3A_309 : i32 to vector<16xi32>
      %add3A_311 = arith.addi %add3A_308, %add3A_310 : vector<16xi32>
      tpu.vector_store_idx %arg6[%shift_right_arithmetic3A_301, %and3A_304], %add3A_311 : memref<80x128xi32, #tpu.memory_space<vmem>>[vector<16xi32>, vector<16xi32>], vector<16xi32>,
      %add3A_312 = arith.constant 21 : i32
      %add3A_313 = vector.broadcast %add3A_312 : i32 to vector<16xi32>
      %add3A_314 = arith.addi %mul3A_23, %add3A_313 : vector<16xi32>
      %gather3A_315 = tpu.vector_load_idx %arg5[%add3A_314] : memref<20480xi32, #tpu.memory_space<vmem>>[vector<16xi32>], vector<16xi32>,
      %add3A_316 = arith.constant 33 : i32
      %add3A_317 = vector.broadcast %add3A_316 : i32 to vector<16xi32>
      %add3A_318 = arith.addi %mul3A_23, %add3A_317 : vector<16xi32>
      %gather3A_319 = tpu.vector_load_idx %arg5[%add3A_318] : memref<20480xi32, #tpu.memory_space<vmem>>[vector<16xi32>], vector<16xi32>,
      %add3A_320 = arith.constant 13 : i32
      %add3A_321 = vector.broadcast %add3A_320 : i32 to vector<16xi32>
      %add3A_322 = arith.addi %mul3A_26, %add3A_321 : vector<16xi32>
      %shift_right_arithmetic3A_323 = arith.constant 7 : i32
      %shift_right_arithmetic3A_324 = vector.broadcast %shift_right_arithmetic3A_323 : i32 to vector<16xi32>
      %shift_right_arithmetic3A_325 = arith.shrsi %add3A_322, %shift_right_arithmetic3A_324 : vector<16xi32>
      %and3A_326 = arith.constant 127 : i32
      %and3A_327 = vector.broadcast %and3A_326 : i32 to vector<16xi32>
      %and3A_328 = arith.andi %add3A_322, %and3A_327 : vector<16xi32>
      %mul3A_329 = arith.constant 2 : i32
      %mul3A_330 = vector.broadcast %mul3A_329 : i32 to vector<16xi32>
      %mul3A_331 = arith.muli %gather3A_315, %mul3A_330 : vector<16xi32>
      %add3A_332 = arith.addi %mul3A_331, %gather3A_319 : vector<16xi32>
      %add3A_333 = arith.constant 24 : i32
      %add3A_334 = vector.broadcast %add3A_333 : i32 to vector<16xi32>
      %add3A_335 = arith.addi %add3A_332, %add3A_334 : vector<16xi32>
      tpu.vector_store_idx %arg6[%shift_right_arithmetic3A_325, %and3A_328], %add3A_335 : memref<80x128xi32, #tpu.memory_space<vmem>>[vector<16xi32>, vector<16xi32>], vector<16xi32>,
      %add3A_336 = arith.constant 22 : i32
      %add3A_337 = vector.broadcast %add3A_336 : i32 to vector<16xi32>
      %add3A_338 = arith.addi %mul3A_23, %add3A_337 : vector<16xi32>
      %gather3A_339 = tpu.vector_load_idx %arg5[%add3A_338] : memref<20480xi32, #tpu.memory_space<vmem>>[vector<16xi32>], vector<16xi32>,
      %add3A_340 = arith.constant 34 : i32
      %add3A_341 = vector.broadcast %add3A_340 : i32 to vector<16xi32>
      %add3A_342 = arith.addi %mul3A_23, %add3A_341 : vector<16xi32>
      %gather3A_343 = tpu.vector_load_idx %arg5[%add3A_342] : memref<20480xi32, #tpu.memory_space<vmem>>[vector<16xi32>], vector<16xi32>,
      %add3A_344 = arith.constant 14 : i32
      %add3A_345 = vector.broadcast %add3A_344 : i32 to vector<16xi32>
      %add3A_346 = arith.addi %mul3A_26, %add3A_345 : vector<16xi32>
      %shift_right_arithmetic3A_347 = arith.constant 7 : i32
      %shift_right_arithmetic3A_348 = vector.broadcast %shift_right_arithmetic3A_347 : i32 to vector<16xi32>
      %shift_right_arithmetic3A_349 = arith.shrsi %add3A_346, %shift_right_arithmetic3A_348 : vector<16xi32>
      %and3A_350 = arith.constant 127 : i32
      %and3A_351 = vector.broadcast %and3A_350 : i32 to vector<16xi32>
      %and3A_352 = arith.andi %add3A_346, %and3A_351 : vector<16xi32>
      %mul3A_353 = arith.constant 2 : i32
      %mul3A_354 = vector.broadcast %mul3A_353 : i32 to vector<16xi32>
      %mul3A_355 = arith.muli %gather3A_339, %mul3A_354 : vector<16xi32>
      %add3A_356 = arith.addi %mul3A_355, %gather3A_343 : vector<16xi32>
      %add3A_357 = arith.constant 24 : i32
      %add3A_358 = vector.broadcast %add3A_357 : i32 to vector<16xi32>
      %add3A_359 = arith.addi %add3A_356, %add3A_358 : vector<16xi32>
      tpu.vector_store_idx %arg6[%shift_right_arithmetic3A_349, %and3A_352], %add3A_359 : memref<80x128xi32, #tpu.memory_space<vmem>>[vector<16xi32>, vector<16xi32>], vector<16xi32>,
      %add3A_360 = arith.constant 23 : i32
      %add3A_361 = vector.broadcast %add3A_360 : i32 to vector<16xi32>
      %add3A_362 = arith.addi %mul3A_23, %add3A_361 : vector<16xi32>
      %gather3A_363 = tpu.vector_load_idx %arg5[%add3A_362] : memref<20480xi32, #tpu.memory_space<vmem>>[vector<16xi32>], vector<16xi32>,
      %add3A_364 = arith.constant 35 : i32
      %add3A_365 = vector.broadcast %add3A_364 : i32 to vector<16xi32>
      %add3A_366 = arith.addi %mul3A_23, %add3A_365 : vector<16xi32>
      %gather3A_367 = tpu.vector_load_idx %arg5[%add3A_366] : memref<20480xi32, #tpu.memory_space<vmem>>[vector<16xi32>], vector<16xi32>,
      %add3A_368 = arith.constant 15 : i32
      %add3A_369 = vector.broadcast %add3A_368 : i32 to vector<16xi32>
      %add3A_370 = arith.addi %mul3A_26, %add3A_369 : vector<16xi32>
      %shift_right_arithmetic3A_371 = arith.constant 7 : i32
      %shift_right_arithmetic3A_372 = vector.broadcast %shift_right_arithmetic3A_371 : i32 to vector<16xi32>
      %shift_right_arithmetic3A_373 = arith.shrsi %add3A_370, %shift_right_arithmetic3A_372 : vector<16xi32>
      %and3A_374 = arith.constant 127 : i32
      %and3A_375 = vector.broadcast %and3A_374 : i32 to vector<16xi32>
      %and3A_376 = arith.andi %add3A_370, %and3A_375 : vector<16xi32>
      %mul3A_377 = arith.constant 2 : i32
      %mul3A_378 = vector.broadcast %mul3A_377 : i32 to vector<16xi32>
      %mul3A_379 = arith.muli %gather3A_363, %mul3A_378 : vector<16xi32>
      %add3A_380 = arith.addi %mul3A_379, %gather3A_367 : vector<16xi32>
      %add3A_381 = arith.constant 24 : i32
      %add3A_382 = vector.broadcast %add3A_381 : i32 to vector<16xi32>
      %add3A_383 = arith.addi %add3A_380, %add3A_382 : vector<16xi32>
      tpu.vector_store_idx %arg6[%shift_right_arithmetic3A_373, %and3A_376], %add3A_383 : memref<80x128xi32, #tpu.memory_space<vmem>>[vector<16xi32>, vector<16xi32>], vector<16xi32>,
      %add3A_384 = arith.constant 24 : i32
      %add3A_385 = vector.broadcast %add3A_384 : i32 to vector<16xi32>
      %add3A_386 = arith.addi %mul3A_23, %add3A_385 : vector<16xi32>
      %gather3A_387 = tpu.vector_load_idx %arg5[%add3A_386] : memref<20480xi32, #tpu.memory_space<vmem>>[vector<16xi32>], vector<16xi32>,
      %add3A_388 = arith.constant 36 : i32
      %add3A_389 = vector.broadcast %add3A_388 : i32 to vector<16xi32>
      %add3A_390 = arith.addi %mul3A_23, %add3A_389 : vector<16xi32>
      %gather3A_391 = tpu.vector_load_idx %arg5[%add3A_390] : memref<20480xi32, #tpu.memory_space<vmem>>[vector<16xi32>], vector<16xi32>,
      %add3A_392 = arith.constant 16 : i32
      %add3A_393 = vector.broadcast %add3A_392 : i32 to vector<16xi32>
      %add3A_394 = arith.addi %mul3A_26, %add3A_393 : vector<16xi32>
      %shift_right_arithmetic3A_395 = arith.constant 7 : i32
      %shift_right_arithmetic3A_396 = vector.broadcast %shift_right_arithmetic3A_395 : i32 to vector<16xi32>
      %shift_right_arithmetic3A_397 = arith.shrsi %add3A_394, %shift_right_arithmetic3A_396 : vector<16xi32>
      %and3A_398 = arith.constant 127 : i32
      %and3A_399 = vector.broadcast %and3A_398 : i32 to vector<16xi32>
      %and3A_400 = arith.andi %add3A_394, %and3A_399 : vector<16xi32>
      %mul3A_401 = arith.constant 2 : i32
      %mul3A_402 = vector.broadcast %mul3A_401 : i32 to vector<16xi32>
      %mul3A_403 = arith.muli %gather3A_387, %mul3A_402 : vector<16xi32>
      %add3A_404 = arith.addi %mul3A_403, %gather3A_391 : vector<16xi32>
      %add3A_405 = arith.constant 24 : i32
      %add3A_406 = vector.broadcast %add3A_405 : i32 to vector<16xi32>
      %add3A_407 = arith.addi %add3A_404, %add3A_406 : vector<16xi32>
      tpu.vector_store_idx %arg6[%shift_right_arithmetic3A_397, %and3A_400], %add3A_407 : memref<80x128xi32, #tpu.memory_space<vmem>>[vector<16xi32>, vector<16xi32>], vector<16xi32>,
      %add3A_408 = arith.constant 25 : i32
      %add3A_409 = vector.broadcast %add3A_408 : i32 to vector<16xi32>
      %add3A_410 = arith.addi %mul3A_23, %add3A_409 : vector<16xi32>
      %gather3A_411 = tpu.vector_load_idx %arg5[%add3A_410] : memref<20480xi32, #tpu.memory_space<vmem>>[vector<16xi32>], vector<16xi32>,
      %add3A_412 = arith.constant 37 : i32
      %add3A_413 = vector.broadcast %add3A_412 : i32 to vector<16xi32>
      %add3A_414 = arith.addi %mul3A_23, %add3A_413 : vector<16xi32>
      %gather3A_415 = tpu.vector_load_idx %arg5[%add3A_414] : memref<20480xi32, #tpu.memory_space<vmem>>[vector<16xi32>], vector<16xi32>,
      %add3A_416 = arith.constant 17 : i32
      %add3A_417 = vector.broadcast %add3A_416 : i32 to vector<16xi32>
      %add3A_418 = arith.addi %mul3A_26, %add3A_417 : vector<16xi32>
      %shift_right_arithmetic3A_419 = arith.constant 7 : i32
      %shift_right_arithmetic3A_420 = vector.broadcast %shift_right_arithmetic3A_419 : i32 to vector<16xi32>
      %shift_right_arithmetic3A_421 = arith.shrsi %add3A_418, %shift_right_arithmetic3A_420 : vector<16xi32>
      %and3A_422 = arith.constant 127 : i32
      %and3A_423 = vector.broadcast %and3A_422 : i32 to vector<16xi32>
      %and3A_424 = arith.andi %add3A_418, %and3A_423 : vector<16xi32>
      %mul3A_425 = arith.constant 2 : i32
      %mul3A_426 = vector.broadcast %mul3A_425 : i32 to vector<16xi32>
      %mul3A_427 = arith.muli %gather3A_411, %mul3A_426 : vector<16xi32>
      %add3A_428 = arith.addi %mul3A_427, %gather3A_415 : vector<16xi32>
      %add3A_429 = arith.constant 24 : i32
      %add3A_430 = vector.broadcast %add3A_429 : i32 to vector<16xi32>
      %add3A_431 = arith.addi %add3A_428, %add3A_430 : vector<16xi32>
      tpu.vector_store_idx %arg6[%shift_right_arithmetic3A_421, %and3A_424], %add3A_431 : memref<80x128xi32, #tpu.memory_space<vmem>>[vector<16xi32>, vector<16xi32>], vector<16xi32>,
      %add3A_432 = arith.constant 26 : i32
      %add3A_433 = vector.broadcast %add3A_432 : i32 to vector<16xi32>
      %add3A_434 = arith.addi %mul3A_23, %add3A_433 : vector<16xi32>
      %gather3A_435 = tpu.vector_load_idx %arg5[%add3A_434] : memref<20480xi32, #tpu.memory_space<vmem>>[vector<16xi32>], vector<16xi32>,
      %add3A_436 = arith.constant 38 : i32
      %add3A_437 = vector.broadcast %add3A_436 : i32 to vector<16xi32>
      %add3A_438 = arith.addi %mul3A_23, %add3A_437 : vector<16xi32>
      %gather3A_439 = tpu.vector_load_idx %arg5[%add3A_438] : memref<20480xi32, #tpu.memory_space<vmem>>[vector<16xi32>], vector<16xi32>,
      %add3A_440 = arith.constant 18 : i32
      %add3A_441 = vector.broadcast %add3A_440 : i32 to vector<16xi32>
      %add3A_442 = arith.addi %mul3A_26, %add3A_441 : vector<16xi32>
      %shift_right_arithmetic3A_443 = arith.constant 7 : i32
      %shift_right_arithmetic3A_444 = vector.broadcast %shift_right_arithmetic3A_443 : i32 to vector<16xi32>
      %shift_right_arithmetic3A_445 = arith.shrsi %add3A_442, %shift_right_arithmetic3A_444 : vector<16xi32>
      %and3A_446 = arith.constant 127 : i32
      %and3A_447 = vector.broadcast %and3A_446 : i32 to vector<16xi32>
      %and3A_448 = arith.andi %add3A_442, %and3A_447 : vector<16xi32>
      %mul3A_449 = arith.constant 2 : i32
      %mul3A_450 = vector.broadcast %mul3A_449 : i32 to vector<16xi32>
      %mul3A_451 = arith.muli %gather3A_435, %mul3A_450 : vector<16xi32>
      %add3A_452 = arith.addi %mul3A_451, %gather3A_439 : vector<16xi32>
      %add3A_453 = arith.constant 24 : i32
      %add3A_454 = vector.broadcast %add3A_453 : i32 to vector<16xi32>
      %add3A_455 = arith.addi %add3A_452, %add3A_454 : vector<16xi32>
      tpu.vector_store_idx %arg6[%shift_right_arithmetic3A_445, %and3A_448], %add3A_455 : memref<80x128xi32, #tpu.memory_space<vmem>>[vector<16xi32>, vector<16xi32>], vector<16xi32>,
      %add3A_456 = arith.constant 27 : i32
      %add3A_457 = vector.broadcast %add3A_456 : i32 to vector<16xi32>
      %add3A_458 = arith.addi %mul3A_23, %add3A_457 : vector<16xi32>
      %gather3A_459 = tpu.vector_load_idx %arg5[%add3A_458] : memref<20480xi32, #tpu.memory_space<vmem>>[vector<16xi32>], vector<16xi32>,
      %add3A_460 = arith.constant 39 : i32
      %add3A_461 = vector.broadcast %add3A_460 : i32 to vector<16xi32>
      %add3A_462 = arith.addi %mul3A_23, %add3A_461 : vector<16xi32>
      %gather3A_463 = tpu.vector_load_idx %arg5[%add3A_462] : memref<20480xi32, #tpu.memory_space<vmem>>[vector<16xi32>], vector<16xi32>,
      %add3A_464 = arith.constant 19 : i32
      %add3A_465 = vector.broadcast %add3A_464 : i32 to vector<16xi32>
      %add3A_466 = arith.addi %mul3A_26, %add3A_465 : vector<16xi32>
      %shift_right_arithmetic3A_467 = arith.constant 7 : i32
      %shift_right_arithmetic3A_468 = vector.broadcast %shift_right_arithmetic3A_467 : i32 to vector<16xi32>
      %shift_right_arithmetic3A_469 = arith.shrsi %add3A_466, %shift_right_arithmetic3A_468 : vector<16xi32>
      %and3A_470 = arith.constant 127 : i32
      %and3A_471 = vector.broadcast %and3A_470 : i32 to vector<16xi32>
      %and3A_472 = arith.andi %add3A_466, %and3A_471 : vector<16xi32>
      %mul3A_473 = arith.constant 2 : i32
      %mul3A_474 = vector.broadcast %mul3A_473 : i32 to vector<16xi32>
      %mul3A_475 = arith.muli %gather3A_459, %mul3A_474 : vector<16xi32>
      %add3A_476 = arith.addi %mul3A_475, %gather3A_463 : vector<16xi32>
      %add3A_477 = arith.constant 24 : i32
      %add3A_478 = vector.broadcast %add3A_477 : i32 to vector<16xi32>
      %add3A_479 = arith.addi %add3A_476, %add3A_478 : vector<16xi32>
      tpu.vector_store_idx %arg6[%shift_right_arithmetic3A_469, %and3A_472], %add3A_479 : memref<80x128xi32, #tpu.memory_space<vmem>>[vector<16xi32>, vector<16xi32>], vector<16xi32>,
    }
    %scan3A_7 = arith.constant 32 : i32
    %mul3A_8 = arith.constant 10240 : i32
    %mul3A_9 = arith.muli %add3A, %mul3A_8 : i32
    %scan3A_10 = arith.constant 0 : i32
    %scan3A_11 = arith.constant 0 : i32
    %scan3A_12 = arith.constant 80 : i32
    %scan3A_13 = arith.addi %scan3A_11, %scan3A_12 : i32
    %scan3A_14 = arith.constant 1 : i32
    scf.for %scan3A_16 = %scan3A_11 to %scan3A_13 step %scan3A_14  : i32 {
      %dma_start3A = arith.constant 0 : i32
      %dma_start3A_17 = tpu.memref_slice %arg6[%scan3A_16, %dma_start3A] : memref<80x128xi32, #tpu.memory_space<vmem>> -> memref<1x128xi32, #tpu.memory_space<vmem>>
      %dma_start3A_18 = tpu.memref_squeeze %dma_start3A_17 : memref<1x128xi32, #tpu.memory_space<vmem>> -> memref<128xi32, #tpu.memory_space<vmem>>
      %dma_start3A_19 = arith.constant 0 : i32
      %dma_start3A_20 = arith.constant 0 : i32
      %dma_start3A_21 = tpu.memref_slice %arg3[%dma_start3A_19, %dma_start3A_20] : memref<48x128xf32, #tpu.memory_space<hbm>> -> memref<48x128xf32, #tpu.memory_space<hbm>>
      tpu.enqueue_indirect_dma source(%dma_start3A_21 : memref<48x128xf32, #tpu.memory_space<hbm>>) target(%arg7 : memref<128x128xf32, #tpu.memory_space<vmem>>) offsets(%dma_start3A_18 : memref<128xi32, #tpu.memory_space<vmem>>) semaphore(%arg8 : memref<!tpu.dma_semaphore, #tpu.memory_space<semaphore_mem>>)
      %dma_wait3A = arith.constant 0 : i32
      %dma_wait3A_22 = tpu.memref_slice %arg6[%scan3A_16, %dma_wait3A] : memref<80x128xi32, #tpu.memory_space<vmem>> -> memref<1x128xi32, #tpu.memory_space<vmem>>
      %dma_wait3A_23 = tpu.memref_squeeze %dma_wait3A_22 : memref<1x128xi32, #tpu.memory_space<vmem>> -> memref<128xi32, #tpu.memory_space<vmem>>
      %dma_wait3A_24 = arith.constant 0 : i32
      %dma_wait3A_25 = arith.constant 0 : i32
      %dma_wait3A_26 = tpu.memref_slice %arg3[%dma_wait3A_24, %dma_wait3A_25] : memref<48x128xf32, #tpu.memory_space<hbm>> -> memref<48x128xf32, #tpu.memory_space<hbm>>
      tpu.wait_indirect_dma semaphore(%arg8 : memref<!tpu.dma_semaphore, #tpu.memory_space<semaphore_mem>>) src(%dma_wait3A_26 : memref<48x128xf32, #tpu.memory_space<hbm>>) dst(%arg7 : memref<128x128xf32, #tpu.memory_space<vmem>>)
      %mul3A_27 = arith.constant 128 : i32
      %mul3A_28 = arith.muli %scan3A_16, %mul3A_27 : i32
      %add3A_29 = arith.addi %mul3A_9, %mul3A_28 : i32
      "tpu.region"() ({
        %run_scoped3A = tpu.sem_alloc : memref<!tpu.dma_semaphore, #tpu.memory_space<semaphore_mem>>
        %dma_start3A_30 = arith.constant 0 : i32
        %dma_start3A_31 = tpu.memref_slice %arg4[%add3A_29, %dma_start3A_30] : memref<327680x128xf32, #tpu.memory_space<hbm>> -> memref<128x128xf32, #tpu.memory_space<hbm>>
        %dma_start3A_32 = arith.constant 0 : i32
        %dma_start3A_33 = tpu.memref_slice %arg4[%add3A_29, %dma_start3A_32] : memref<327680x128xf32, #tpu.memory_space<hbm>> -> memref<128x128xf32, #tpu.memory_space<hbm>>
        tpu.enqueue_dma source(%arg7 : memref<128x128xf32, #tpu.memory_space<vmem>>) target(%dma_start3A_33 : memref<128x128xf32, #tpu.memory_space<hbm>>) target_semaphore(%run_scoped3A : memref<!tpu.dma_semaphore, #tpu.memory_space<semaphore_mem>>)
        %dma_wait3A_34 = arith.constant 0 : i32
        %dma_wait3A_35 = tpu.memref_slice %arg4[%add3A_29, %dma_wait3A_34] : memref<327680x128xf32, #tpu.memory_space<hbm>> -> memref<128x128xf32, #tpu.memory_space<hbm>>
        %dma_wait3A_36 = arith.constant 0 : i32
        %dma_wait3A_37 = tpu.memref_slice %arg4[%add3A_29, %dma_wait3A_36] : memref<327680x128xf32, #tpu.memory_space<hbm>> -> memref<128x128xf32, #tpu.memory_space<hbm>>
        tpu.wait_dma2 semaphore(%run_scoped3A : memref<!tpu.dma_semaphore, #tpu.memory_space<semaphore_mem>>) src(%arg7 : memref<128x128xf32, #tpu.memory_space<vmem>>) dst(%dma_wait3A_37 : memref<128x128xf32, #tpu.memory_space<hbm>>)
        tpu.yield
      }) : () -> ()
    }
    %scan3A_15 = arith.constant 80 : i32
    return
  }
}

module attributes {stable_mosaic.version = 14 : i64} {
  func.func @_tab_body(%arg0: memref<8x128xf32, #tpu.memory_space<vmem>>, %arg1: memref<3x128xf32, #tpu.memory_space<vmem>>, %arg2: memref<12x128xf32, #tpu.memory_space<vmem>>, %arg3: memref<2x128xf32, #tpu.memory_space<vmem>>, %arg4: memref<8x3x128xf32, #tpu.memory_space<vmem>>, %arg5: memref<12x2x128xf32, #tpu.memory_space<vmem>>) attributes {dimension_semantics = [], scalar_prefetch = 0 : i64, scratch_operands = 0 : i64, tpu.core_type = #tpu.core_type<tc>} {
    %get3A = arith.constant 0 : index
    %get3A_0 = arith.constant 0 : index
    %get3A_1 = vector.load %arg0[%get3A, %get3A_0] : memref<8x128xf32, #tpu.memory_space<vmem>>, vector<8x128xf32>
    %broadcast_in_dim3A = vector.shape_cast %get3A_1 : vector<8x128xf32> to vector<8x1x128xf32>
    %get3A_2 = arith.constant 0 : index
    %get3A_3 = arith.constant 0 : index
    %get3A_4 = vector.load %arg1[%get3A_2, %get3A_3] : memref<3x128xf32, #tpu.memory_space<vmem>>, vector<3x128xf32>
    %broadcast_in_dim3A_5 = vector.shape_cast %get3A_4 : vector<3x128xf32> to vector<1x3x128xf32>
    %add3A = vector.broadcast %broadcast_in_dim3A : vector<8x1x128xf32> to vector<8x3x128xf32>
    %add3A_6 = vector.broadcast %broadcast_in_dim3A_5 : vector<1x3x128xf32> to vector<8x3x128xf32>
    %add3A_7 = arith.addf %add3A, %add3A_6 : vector<8x3x128xf32>
    %swap3A = arith.constant 0 : index
    %swap3A_8 = arith.constant 0 : index
    %swap3A_9 = arith.constant 0 : index
    %swap3A_10 = vector.load %arg4[%swap3A, %swap3A_8, %swap3A_9] : memref<8x3x128xf32, #tpu.memory_space<vmem>>, vector<8x3x128xf32>
    tpu.vector_store %arg4[%swap3A, %swap3A_8, %swap3A_9], %add3A_7 {strides = array<i32>} : memref<8x3x128xf32, #tpu.memory_space<vmem>>, vector<8x3x128xf32>,
    %get3A_11 = arith.constant 0 : index
    %get3A_12 = arith.constant 0 : index
    %get3A_13 = vector.load %arg2[%get3A_11, %get3A_12] : memref<12x128xf32, #tpu.memory_space<vmem>>, vector<12x128xf32>
    %broadcast_in_dim3A_14 = vector.shape_cast %get3A_13 : vector<12x128xf32> to vector<12x1x128xf32>
    %get3A_15 = arith.constant 0 : index
    %get3A_16 = arith.constant 0 : index
    %get3A_17 = vector.load %arg3[%get3A_15, %get3A_16] : memref<2x128xf32, #tpu.memory_space<vmem>>, vector<2x128xf32>
    %broadcast_in_dim3A_18 = vector.shape_cast %get3A_17 : vector<2x128xf32> to vector<1x2x128xf32>
    %add3A_19 = vector.broadcast %broadcast_in_dim3A_14 : vector<12x1x128xf32> to vector<12x2x128xf32>
    %add3A_20 = vector.broadcast %broadcast_in_dim3A_18 : vector<1x2x128xf32> to vector<12x2x128xf32>
    %add3A_21 = arith.addf %add3A_19, %add3A_20 : vector<12x2x128xf32>
    %swap3A_22 = arith.constant 0 : index
    %swap3A_23 = arith.constant 0 : index
    %swap3A_24 = arith.constant 0 : index
    %swap3A_25 = vector.load %arg5[%swap3A_22, %swap3A_23, %swap3A_24] : memref<12x2x128xf32, #tpu.memory_space<vmem>>, vector<12x2x128xf32>
    tpu.vector_store %arg5[%swap3A_22, %swap3A_23, %swap3A_24], %add3A_21 {strides = array<i32>} : memref<12x2x128xf32, #tpu.memory_space<vmem>>, vector<12x2x128xf32>,
    return
  }
}

</mosaic_0001>

<sc_bundles>
// kernel: kernel.4.cloned.1.call-start
scs
__scs_entry_jumppad:
0x0: {  	(pc) =	sbr.rel $0x88, $3  }
0x1: {  	(tag) =	ssettag $0x0;
	lr =	simm.s32 $0x1  }
0x2: {  	[smem:$0x3F9C] =	sst lr;
	_ =	strace $0xD0000000  }
0x3: {  	_ = 	snop  }
0x4: {  	_ = 	snop  }
0x5: {  	_ = 	snop  }
0x6: {  	_ = 	snop  }
0x7: {  	_ = 	snop  }
__scs_overlays_trampoline_lowered:
0x8: {  	[smem:$0x3FAB] =	sst s0  }
0x9: {  	[smem:$0x3FAC] =	sst s1  }
0xa: {  	[smem:$0x3FAD] =	sst s2  }
0xb: {  	[smem:$0x3FAE] =	sst s3  }
0xc: {  	[smem:$0x3FAF] =	sst s4  }
0xd: {  	[smem:$0x3FB0] =	sst s5  }
0xe: {  	[smem:$0x3FB1] =	sst s6  }
0xf: {  	[smem:$0x3FB2] =	sst s7  }
0x10: {  	[smem:$0x3FB3] =	sst s8  }
0x11: {  	[smem:$0x3FB4] =	sst s9;
	s0 =	simm.s32 @!p0 $0x0  }
0x12: {  	s1 =	sld [smem:$0x3F9A];
	s0 =	simm.s32 @p0 $0x1  }
0x13: {  	[smem:$0x3FB5] =	sst s0;
	s0 =	simm.s32 @!p1 $0x0  }
0x14: {  	s2 =	sld [smem:$0x3F99];
	s0 =	simm.s32 @p1 $0x1  }
0x15: {  	[smem:$0x3FB6] =	sst s0;
	s0 =	simm.s32 @!p2 $0x0  }
0x16: {  	s3 =	sld [smem:$0x3FDB];
	s0 =	simm.s32 @p2 $0x1  }
0x17: {  	s4 =	simm.s32 $0x1BF5;
	[smem:$0x3FB8] =	sst s0  }
0x18: {  	s0 =	sld [smem:$0x3F9B];
	_ =	swait.ge [sflag:s4], $0x0  }
0x19: {  	s7 =	sld [smem:$0x3F9C]  }
0x1a: {  	s8 =	sadd.s32 $0xFFFFE003, lr  }
0x1b: {  	s9 =	sadd.s32 $0xFFFFFEF7, lr;
	s5 =	simm.s32 $0xFFFFFFFF;
	p2 =	slt.u32 s8, $0xFFFFF086  }
0x1c: {  	p1 =	slt.u32 s9, $0xF7A;
	s5 =	simm.s32 @!p2 $0x0  }
0x1d: {  	s5 =	simm.s32 @p1 $0x1;
	p0 =	seq.s32 s7, s2  }
0x1e: {  	s7 =	smul.u32 @!p0 $0xF7A, s2;
	p2 =	seq.s32 @!p0 s5, $0x0  }
0x1f: {  	s9 =	smul.u32 $0xF7A, s1;
	s8 =	simm.s32 @!p0 $0x1BF5;
	p2 =	por !p2, p0  }
0x20: {  	[sflag:s8] =	ssyncset.s32 @!p0 $0xFFFFF086;
	s6 =	sadd.s32 @!p0 s3, s7;
	s7 =	simm.s32 @!p0 $0x108  }
0x21: {  	s3 =	sadd.s32 s3, s9;
	s6 =	sadd.s32 @!p0 $0x88, s6;
	s7 =	simm.s32 @p2 $0x1082  }
0x22: {  	[simem:s7], [sflag:s8] =	dma.local @!p0 [hbm:s6], $0xF7A  }
0x23: {  	s9 =	sor.u32 $0xD0000000, s2;
	s6 =	simm.s32 $0x108;
	_ =	swait.ge @!p0 [sflag:s8], $0x0  }
0x24: {  	s3 =	sadd.s32 $0x88, s3;
	s6 =	simm.s32 @!p1 $0x1082;
	[sflag:s4] =	ssyncset.s32 $0xFFFFF086  }
0x25: {  	[simem:s6], [sflag:s4] =	dma.local [hbm:s3], $0xF7A  }
0x26: {  	[smem:$0x3F9C] =	sst s1;
	(tag) =	ssettag s2;
	_ =	strace s9  }
0x27: {  	s1 =	sld [smem:$0x3FAC]  }
0x28: {  	s2 =	sld [smem:$0x3FAD]  }
0x29: {  	s4 =	sld [smem:$0x3FAF]  }
0x2a: {  	p0 =	seq.s32 s5, $0x0;
	s5 =	sld [smem:$0x3FB0]  }
0x2b: {  	s6 =	sld [smem:$0x3FB1]  }
0x2c: {  	s7 =	sld [smem:$0x3FB2]  }
0x2d: {  	s3 =	simm.s32 $0x108;
	s8 =	sld [smem:$0x3FB3]  }
0x2e: {  	s3 =	simm.s32 @!p0 $0x1082;
	s9 =	sld [smem:$0x3FB4]  }
0x2f: {  	lr =	sadd.s32 s0, s3;
	s0 =	sld [smem:$0x3FAB]  }
0x30: {  	s3 =	sld [smem:$0x3FAE]  }
0x31: {  	[smem:$0x3FB7] =	sst s10  }
0x32: {  	s10 =	sld [smem:$0x3FB5];
	_ =	sdelay $0x3  }
0x33: {  	p0 =	seq.s32 s10, $0x1;
	s10 =	sld [smem:$0x3FB7];
	_ =	sdelay $0x3  }
0x34: {  	[smem:$0x3FB7] =	sst s10  }
0x35: {  	s10 =	sld [smem:$0x3FB6];
	_ =	sdelay $0x3  }
0x36: {  	p1 =	seq.s32 s10, $0x1;
	s10 =	sld [smem:$0x3FB7];
	_ =	sdelay $0x3  }
0x37: {  	[smem:$0x3FB7] =	sst s10  }
0x38: {  	s10 =	sld [smem:$0x3FB8]  }
0x39: {  	_ = 	snop;
	(pc) =	sbr.ind lr, $3  }
0x3a: {  	_ = 	snop  }
0x3b: {  	_ = 	snop  }
0x3c: {  	p2 =	seq.s32 s10, $0x1;
	s10 =	sld [smem:$0x3FB7]  }
0x3d: {  	_ =	shalt  }
0x3e: {  	_ =	shalt  }
0x3f: {  	_ =	shalt  }
0x40: {  	_ =	shalt  }
0x41: {  	_ =	shalt  }
0x42: {  	_ =	shalt  }
0x43: {  	_ =	shalt  }
0x44: {  	_ =	shalt  }
0x45: {  	_ =	shalt  }
0x46: {  	_ =	shalt  }
0x47: {  	_ =	shalt  }
0x48: {  	_ =	shalt  }
0x49: {  	_ =	shalt  }
0x4a: {  	_ =	shalt  }
0x4b: {  	_ =	shalt  }
0x4c: {  	_ =	shalt  }
0x4d: {  	_ =	shalt  }
0x4e: {  	_ =	shalt  }
0x4f: {  	_ =	shalt  }
0x50: {  	_ =	shalt  }
0x51: {  	_ =	shalt  }
0x52: {  	_ =	shalt  }
0x53: {  	_ =	shalt  }
0x54: {  	_ =	shalt  }
0x55: {  	_ =	shalt  }
0x56: {  	_ =	shalt  }
0x57: {  	_ =	shalt  }
0x58: {  	_ =	shalt  }
0x59: {  	_ =	shalt  }
0x5a: {  	_ =	shalt  }
0x5b: {  	_ =	shalt  }
0x5c: {  	_ =	shalt  }
0x5d: {  	_ =	shalt  }
0x5e: {  	_ =	shalt  }
0x5f: {  	_ =	shalt  }
0x60: {  	_ =	shalt  }
0x61: {  	_ =	shalt  }
0x62: {  	_ =	shalt  }
0x63: {  	_ =	shalt  }
0x64: {  	_ =	shalt  }
0x65: {  	_ =	shalt  }
0x66: {  	_ =	shalt  }
0x67: {  	_ =	shalt  }
0x68: {  	_ =	shalt  }
0x69: {  	_ =	shalt  }
0x6a: {  	_ =	shalt  }
0x6b: {  	_ =	shalt  }
0x6c: {  	_ =	shalt  }
0x6d: {  	_ =	shalt  }
0x6e: {  	_ =	shalt  }
0x6f: {  	_ =	shalt  }
0x70: {  	_ =	shalt  }
0x71: {  	_ =	shalt  }
0x72: {  	_ =	shalt  }
0x73: {  	_ =	shalt  }
0x74: {  	_ =	shalt  }
0x75: {  	_ =	shalt  }
0x76: {  	_ =	shalt  }
0x77: {  	_ =	shalt  }
0x78: {  	_ =	shalt  }
0x79: {  	_ =	shalt  }
0x7a: {  	_ =	shalt  }
0x7b: {  	_ =	shalt  }
0x7c: {  	_ =	shalt  }
0x7d: {  	_ =	shalt  }
0x7e: {  	_ =	shalt  }
0x7f: {  	_ =	shalt  }
0x80: {  	_ =	shalt  }
0x81: {  	_ =	shalt  }
0x82: {  	_ =	shalt  }
0x83: {  	_ =	shalt  }
0x84: {  	_ =	shalt  }
0x85: {  	_ =	shalt  }
0x86: {  	_ =	shalt  }
0x87: {  	_ =	shalt  }
.Lfunc_end0:
.L_simem_size_0:
called_computation.1_lowered:
.L_overlay_start_0:
0x88: {  	s2 =	sld [smem:$0x3FD9]  }
0x89: {  	s3 =	sld [smem:$0x3FFE];
	_ =	sdelay $0x1  }
0x8a: {  	s1 =	srdreg.scid  }
0x8b: {  	s0 =	sand.u32 $0x1, s1  }
0x8c: {  	s17 =	sshll.u32 s0, $0xA;
	s2 =	sadd.s32 s3, s2  }
0x8d: {  	s2 =	sadd.s32 s2, s17  }
0x8e: {  	[smem:$0x3FC3] =	sst s2  }
0x8f: {  	_ = 	snop  }
0x90: {  	s2 =	sld [smem:$0x3FD0];
	(tm) =	ssettm $0x1  }
0x91: {  	s18 =	sld [smem:$0x3FFB];
	_ =	sdelay $0x3  }
0x92: {  	_ =	strace s18  }
0x93: {  	s3 =	sld [smem:$0x3FFC];
	_ =	sdelay $0x3  }
0x94: {  	_ =	strace s3  }
0x95: {  	s3 =	sld [smem:$0x3FFD];
	_ =	sdelay $0x3  }
0x96: {  	_ =	strace s3  }
0x97: {  	_ =	strace $0x8FFFFFFF  }
0x98: {  	s19 =	sld [smem:$0x3FDB];
	_ =	sdelay $0x1  }
0x99: {  	s4 =	simm.s32 $_scs_section_size  }
0x9a: {  	s5 =	simm.s32 $_size__tile_overlayer_lowered;
	s6 =	simm.s32 $_tile_overlayer_lowered  }
0x9b: {  	s22 =	simm.s32 $0x1BFF;
	s21 =	sshll.u32 s6, $0x1;
	s3 =	sadd.s32 s4, s19  }
0x9c: {  	s7 =	simm.s32 $0x0;
	s20 =	sshll.u32 s5, $0x1;
	s5 =	sadd.s32 s21, s3  }
0x9d: {  	[timem:s7], [sflag:s22] =	dma.local [hbm:s5], s20  }
0x9e: {  	_ =	swait.ge [sflag:s22], s20  }
0x9f: {  	s4 =	ssub.s32 $0x0, s20;
	[sflag:s22] =	ssyncset.done $0x0  }
0xa0: {  	[sflag:s22] =	ssyncadd.s32 s4;
	_ =	sdelay $0x1  }
0xa1: {  	s23 =	simm.s32 $0x1B8B  }
0xa2: {  	_ =	swait.ge [sflag:s23], $0x1  }
0xa3: {  	[sflag:s23] =	ssyncset.done $0x0  }
0xa4: {  	s25 =	simm.s32 $0x1B8E;
	s24 =	sld [smem:$0x3FFE];
	[sflag:s23] =	ssyncadd.s32 $0xFFFFFFFF  }
0xa5: {  	s26 =	simm.s32 $execute0_lowered;
	[smem:$0x3FD2] =	sst s25  }
0xa6: {  	s5 =	sshll.u32 s26, $0x1;
	_ =	strace $0x80000046;
	[dreg:$0x1] =	wrdreg $0xFFFFFFFF  }
0xa7: {  	s28 =	simm.s32 $_size_execute0_lowered;
	s3 =	sadd.s32 s3, s5;
	[dreg:$0x0] =	wrdreg $0x0  }
0xa8: {  	s5 =	sshll.u32 s28, $0x1;
	[dreg:$0x2] =	wrdreg s3  }
0xa9: {  	[dreg:$0x3] =	wrdreg s5  }
0xaa: {  	[dreg:$0x4] =	wrdreg $0xC0  }
0xab: {  	_ =	task [dreg:s7], $0x5FFFF  }
0xac: {  	[dreg:$0x1] =	wrdreg $0xFFFFFFFF  }
0xad: {  	[dreg:$0x0] =	wrdreg $0x60  }
0xae: {  	[dreg:$0x2] =	wrdreg s24  }
0xaf: {  	[dreg:$0x3] =	wrdreg s2  }
0xb0: {  	[dreg:$0x4] =	wrdreg $0x9  }
0xb1: {  	_ =	task.clear_ibuf [dreg:s7], $0x5FFFF;
	_ =	strace $0x90000046  }
0xb2: {  	s29 =	simm.s32 $0x9;
	_ =	strace $0x80000048  }
0xb3: {  	_ =	swait.ge [sflag:s29], $0x1  }
0xb4: {  	[sflag:s29] =	ssyncadd.s32 $0xFFFFFFFF  }
0xb5: {  	_ =	strace $0x90000048  }
0xb6: {  	_ =	sfence  }
0xb7: {  	s30 =	sld [smem:$0x0];
	_ =	sdelay $0x2  }
0xb8: {  	s31 =	sshll.u32 s1, $0xD;
	s1 =	sshrl.u32 s1, $0x2  }
0xb9: {  	s3 =	sand.u32 $0x4000, s31;
	s1 =	sadd.s32 s1, s30  }
0xba: {  	s0 =	sor.u32 s3, s0;
	s1 =	sshll.u32 s1, $0x11  }
0xbb: {  	s0 =	sor.u32 s1, s0  }
0xbc: {  	s0 =	sadd.s32 $0x8F2B, s0  }
0xbd: {  	[sflag:s0] =	ssyncadd.remote.s32 $0x1  }
0xbe: {  	_ =	sfence.sel $0xFFFF  }
0xbf: {  	[dreg:$0x0] =	wrdreg $0xFFFFFFFF;
	(pc) =	sbr.abs _section_cstart, $3  }
0xc0: {  	[dreg:$0x1] =	wrdreg $0xFFFFFFFF  }
0xc1: {  	_ =	task.clear_ibuf [dreg:s7], $0x2FFFF;
	_ =	strace $0x9FFFFFFF  }
0xc2: {  	(tm) =	ssettm $0x7FFFFFFF  }
0xc3: {  	_ =	shalt  }
tec
execute0_lowered:
.L_overlay_start_1:
0x0: {  	(tag) =	ssettag $0x1  }
0x1: {  	s3 =	rddreg [dreg:$0x0];
	s1 =	srdreg.scid  }
0x2: {  	s0 =	stileid.u32;
	s4 =	rddreg [dreg:$0x1];
	s2 =	simm.s32 $0x0  }
0x3: {  	s11 =	simm.s32 $0x1;
	s12 =	simm.s32 $0x0;
	s5 =	sand.u32 $0x1, s1  }
0x4: {  	s6 =	sshll.u32 s0, $0x1;
	s1 =	rddreg [dreg:$0x2];
	s8 =	smul.u32 $0x50000, s0  }
0x5: {  	[smem:$0x7FF] =	sst s2;
	s6 =	sor.u32 s5, s6;
	s10 =	smul.u32 $0x28000, s5  }
0x6: {  	_ =	strace $0x80000047;
	s7 =	ssub.s32 $0x2, s5;
	s6 =	smul.u32 $0xA00, s6  }
0x7: {  	s9 =	sshrl.u32 s7, $0x1;
	s31 =	sadd.s32 s8, s4;
	s8 =	simm.s32 $0x5000  }
0x8: {  	s30 =	ssub.s32 s7, s9;
	s7 =	simm.s32 $0x2;
	s9 =	simm.s32 $0x80  }
0x9: {  	s6 =	sadd.s32 s6, s3;
	s3 =	sadd.s32 $0x15200, s3;
	s5 =	smax.u32 s30, $0x1  }
0xa: {  	v0 =	vlaneseq.u32;
	s4 =	sadd.s32 $0x1200, s6;
	s6 =	sadd.s32 s10, s31;
	s10 =	simm.s32 $0x7800  }
.LBB2_1:
0xb: {  	v2 =	vor.u32 s2, v0  }
0xc: {  	v1 =	vmul.u32 $0x28, v2;
	_ =	sdelay $0x1  }
0xd: {  	[tilespmem:s2], [sflag:$0x2] =	stream.linear.gather [hbm4b:s4+s2], $0x5000, $0x38;
	[tilespmem:$0xB800] =	vst v63  }
0xe: {  	_ =	swait.ge [sflag:s7], $0x5000;
	v3 =	vadd.s32 $0x8, v1  }
0xf: {  	[sflag:s7] =	ssyncset.done $0x0  }
0x10: {  	[sflag:s7] =	ssyncadd.s32 $0xFFFFB000  }
0x11: {  	v4 =	vld.idx.msk [tilespmem:v1+s2+$0x0], $0xffff;
	_ =	sdelay $0x1  }
0x12: {  	v2 =	vmul.u32 $0x14, v2;
	v3 =	vld.idx.msk [tilespmem:v3+s2+$0x0], $0xffff;
	_ =	sdelay $0x1  }
0x13: {  	v5 =	vor.u32 $0x1, v1  }
0x14: {  	v4 =	vmul.u32 $0x3, v4  }
0x15: {  	v6 =	vadd.s32 $0x9, v1  }
0x16: {  	v3 =	vadd.s32 v3, v4  }
0x17: {  	[tilespmem:v2+s8+$0x0] =	vst.idx.msk $0xffff, v3  }
0x18: {  	v3 =	vld.idx.msk [tilespmem:v5+s2+$0x0], $0xffff;
	_ =	sdelay $0x1  }
0x19: {  	v4 =	vld.idx.msk [tilespmem:v6+s2+$0x0], $0xffff  }
0x1a: {  	v5 =	vor.u32 $0x1, v2  }
0x1b: {  	v6 =	vor.u32 $0x2, v1  }
0x1c: {  	v3 =	vmul.u32 $0x3, v3  }
0x1d: {  	v7 =	vadd.s32 $0xA, v1  }
0x1e: {  	v3 =	vadd.s32 v4, v3  }
0x1f: {  	[tilespmem:v5+s8+$0x0] =	vst.idx.msk $0xffff, v3  }
0x20: {  	v3 =	vld.idx.msk [tilespmem:v6+s2+$0x0], $0xffff;
	_ =	sdelay $0x1  }
0x21: {  	v4 =	vld.idx.msk [tilespmem:v7+s2+$0x0], $0xffff  }
0x22: {  	v5 =	vor.u32 $0x2, v2  }
0x23: {  	v6 =	vor.u32 $0x3, v1  }
0x24: {  	v3 =	vmul.u32 $0x3, v3  }
0x25: {  	v7 =	vadd.s32 $0xB, v1  }
0x26: {  	v3 =	vadd.s32 v4, v3  }
0x27: {  	[tilespmem:v5+s8+$0x0] =	vst.idx.msk $0xffff, v3  }
0x28: {  	v3 =	vld.idx.msk [tilespmem:v6+s2+$0x0], $0xffff;
	_ =	sdelay $0x1  }
0x29: {  	v4 =	vld.idx.msk [tilespmem:v7+s2+$0x0], $0xffff  }
0x2a: {  	v5 =	vor.u32 $0x3, v2  }
0x2b: {  	v6 =	vor.u32 $0x4, v1  }
0x2c: {  	v3 =	vmul.u32 $0x3, v3  }
0x2d: {  	v7 =	vadd.s32 $0xC, v1  }
0x2e: {  	v3 =	vadd.s32 v4, v3  }
0x2f: {  	[tilespmem:v5+s8+$0x0] =	vst.idx.msk $0xffff, v3  }
0x30: {  	v3 =	vld.idx.msk [tilespmem:v6+s2+$0x0], $0xffff;
	_ =	sdelay $0x1  }
0x31: {  	v4 =	vld.idx.msk [tilespmem:v7+s2+$0x0], $0xffff  }
0x32: {  	v5 =	vadd.s32 $0x4, v2  }
0x33: {  	v6 =	vor.u32 $0x5, v1  }
0x34: {  	v3 =	vmul.u32 $0x3, v3  }
0x35: {  	v7 =	vadd.s32 $0xD, v1  }
0x36: {  	v3 =	vadd.s32 v4, v3  }
0x37: {  	[tilespmem:v5+s8+$0x0] =	vst.idx.msk $0xffff, v3  }
0x38: {  	v3 =	vld.idx.msk [tilespmem:v6+s2+$0x0], $0xffff;
	_ =	sdelay $0x1  }
0x39: {  	v4 =	vld.idx.msk [tilespmem:v7+s2+$0x0], $0xffff  }
0x3a: {  	v5 =	vadd.s32 $0x5, v2  }
0x3b: {  	v6 =	vor.u32 $0x6, v1  }
0x3c: {  	v3 =	vmul.u32 $0x3, v3  }
0x3d: {  	v7 =	vadd.s32 $0xE, v1  }
0x3e: {  	v3 =	vadd.s32 v4, v3  }
0x3f: {  	[tilespmem:v5+s8+$0x0] =	vst.idx.msk $0xffff, v3  }
0x40: {  	v3 =	vld.idx.msk [tilespmem:v6+s2+$0x0], $0xffff;
	_ =	sdelay $0x1  }
0x41: {  	v4 =	vld.idx.msk [tilespmem:v7+s2+$0x0], $0xffff  }
0x42: {  	v5 =	vadd.s32 $0x6, v2  }
0x43: {  	v6 =	vor.u32 $0x7, v1  }
0x44: {  	v3 =	vmul.u32 $0x3, v3  }
0x45: {  	v7 =	vadd.s32 $0xF, v1  }
0x46: {  	v3 =	vadd.s32 v4, v3  }
0x47: {  	[tilespmem:v5+s8+$0x0] =	vst.idx.msk $0xffff, v3  }
0x48: {  	v3 =	vld.idx.msk [tilespmem:v6+s2+$0x0], $0xffff;
	_ =	sdelay $0x1  }
0x49: {  	v4 =	vld.idx.msk [tilespmem:v7+s2+$0x0], $0xffff  }
0x4a: {  	v5 =	vadd.s32 $0x7, v2  }
0x4b: {  	v6 =	vadd.s32 $0x10, v1  }
0x4c: {  	v7 =	vadd.s32 $0x1C, v1;
	v3 =	vmul.u32 $0x3, v3;
	_ =	sdelay $0x1  }
0x4d: {  	v3 =	vadd.s32 v4, v3  }
0x4e: {  	[tilespmem:v5+s8+$0x0] =	vst.idx.msk $0xffff, v3  }
0x4f: {  	v3 =	vld.idx.msk [tilespmem:v6+s2+$0x0], $0xffff  }
0x50: {  	v4 =	vld.idx.msk [tilespmem:v7+s2+$0x0], $0xffff  }
0x51: {  	v5 =	vand.u32 $0x3FFC, v2  }
0x52: {  	v6 =	vadd.s32 $0x8, v5  }
0x53: {  	v7 =	vadd.s32 $0x11, v1  }
0x54: {  	v8 =	vadd.s32 $0x1D, v1;
	v3 =	vshll.u32 v3, $0x1  }
0x55: {  	v3 =	vadd.s32 v3, v4  }
0x56: {  	v3 =	vadd.s32 $0x18, v3  }
0x57: {  	[tilespmem:v6+s8+$0x0] =	vst.idx.msk $0xffff, v3  }
0x58: {  	v3 =	vld.idx.msk [tilespmem:v7+s2+$0x0], $0xffff  }
0x59: {  	v4 =	vld.idx.msk [tilespmem:v8+s2+$0x0], $0xffff;
	_ =	sdelay $0x1  }
0x5a: {  	v6 =	vadd.s32 $0x9, v2  }
0x5b: {  	v7 =	vadd.s32 $0x12, v1  }
0x5c: {  	v57 =	vadd.s32 $0x1E, v1;
	v3 =	vshll.u32 v3, $0x1  }
0x5d: {  	v3 =	vadd.s32 v3, v4  }
0x5e: {  	v3 =	vadd.s32 $0x18, v3  }
0x5f: {  	[tilespmem:v6+s8+$0x0] =	vst.idx.msk $0xffff, v3  }
0x60: {  	v3 =	vld.idx.msk [tilespmem:v7+s2+$0x0], $0xffff  }
0x61: {  	v4 =	vld.idx.msk [tilespmem:v57+s2+$0x0], $0xffff;
	_ =	sdelay $0x1  }
0x62: {  	v6 =	vadd.s32 $0xA, v2  }
0x63: {  	v7 =	vadd.s32 $0x13, v1  }
0x64: {  	v58 =	vadd.s32 $0x1F, v1;
	v3 =	vshll.u32 v3, $0x1  }
0x65: {  	v3 =	vadd.s32 v3, v4  }
0x66: {  	v3 =	vadd.s32 $0x18, v3  }
0x67: {  	[tilespmem:v6+s8+$0x0] =	vst.idx.msk $0xffff, v3  }
0x68: {  	v3 =	vld.idx.msk [tilespmem:v7+s2+$0x0], $0xffff  }
0x69: {  	v4 =	vld.idx.msk [tilespmem:v58+s2+$0x0], $0xffff;
	_ =	sdelay $0x1  }
0x6a: {  	v6 =	vadd.s32 $0xB, v2  }
0x6b: {  	v7 =	vadd.s32 $0x14, v1  }
0x6c: {  	v59 =	vadd.s32 $0x20, v1;
	v3 =	vshll.u32 v3, $0x1  }
0x6d: {  	v3 =	vadd.s32 v3, v4  }
0x6e: {  	v3 =	vadd.s32 $0x18, v3  }
0x6f: {  	[tilespmem:v6+s8+$0x0] =	vst.idx.msk $0xffff, v3  }
0x70: {  	v3 =	vld.idx.msk [tilespmem:v7+s2+$0x0], $0xffff  }
0x71: {  	v4 =	vld.idx.msk [tilespmem:v59+s2+$0x0], $0xffff;
	_ =	sdelay $0x1  }
0x72: {  	v6 =	vadd.s32 $0xC, v2  }
0x73: {  	v7 =	vadd.s32 $0x15, v1  }
0x74: {  	v60 =	vadd.s32 $0x21, v1;
	v3 =	vshll.u32 v3, $0x1  }
0x75: {  	v3 =	vadd.s32 v3, v4  }
0x76: {  	v3 =	vadd.s32 $0x18, v3  }
0x77: {  	[tilespmem:v6+s8+$0x0] =	vst.idx.msk $0xffff, v3  }
0x78: {  	v3 =	vld.idx.msk [tilespmem:v7+s2+$0x0], $0xffff  }
0x79: {  	v4 =	vld.idx.msk [tilespmem:v60+s2+$0x0], $0xffff;
	_ =	sdelay $0x1  }
0x7a: {  	v6 =	vadd.s32 $0xD, v2  }
0x7b: {  	v7 =	vadd.s32 $0x16, v1  }
0x7c: {  	v61 =	vadd.s32 $0x22, v1;
	v3 =	vshll.u32 v3, $0x1  }
0x7d: {  	v3 =	vadd.s32 v3, v4  }
0x7e: {  	v3 =	vadd.s32 $0x18, v3  }
0x7f: {  	[tilespmem:v6+s8+$0x0] =	vst.idx.msk $0xffff, v3  }
0x80: {  	v3 =	vld.idx.msk [tilespmem:v7+s2+$0x0], $0xffff  }
0x81: {  	v4 =	vld.idx.msk [tilespmem:v61+s2+$0x0], $0xffff;
	_ =	sdelay $0x1  }
0x82: {  	v6 =	vadd.s32 $0xE, v2  }
0x83: {  	v7 =	vadd.s32 $0x17, v1  }
0x84: {  	v62 =	vadd.s32 $0x23, v1;
	v3 =	vshll.u32 v3, $0x1  }
0x85: {  	v3 =	vadd.s32 v3, v4  }
0x86: {  	v3 =	vadd.s32 $0x18, v3  }
0x87: {  	[tilespmem:v6+s8+$0x0] =	vst.idx.msk $0xffff, v3  }
0x88: {  	v3 =	vld.idx.msk [tilespmem:v7+s2+$0x0], $0xffff  }
0x89: {  	v4 =	vld.idx.msk [tilespmem:v62+s2+$0x0], $0xffff;
	_ =	sdelay $0x1  }
0x8a: {  	v6 =	vadd.s32 $0xF, v2  }
0x8b: {  	v7 =	vadd.s32 $0x18, v1  }
0x8c: {  	v63 =	vadd.s32 $0x24, v1;
	v3 =	vshll.u32 v3, $0x1  }
0x8d: {  	v3 =	vadd.s32 v3, v4  }
0x8e: {  	v3 =	vadd.s32 $0x18, v3  }
0x8f: {  	[tilespmem:v6+s8+$0x0] =	vst.idx.msk $0xffff, v3  }
0x90: {  	v3 =	vld.idx.msk [tilespmem:v7+s2+$0x0], $0xffff  }
0x91: {  	v4 =	vld.idx.msk [tilespmem:v63+s2+$0x0], $0xffff;
	_ =	sdelay $0x1  }
0x92: {  	v5 =	vadd.s32 $0x10, v5  }
0x93: {  	v6 =	vadd.s32 $0x19, v1  }
0x94: {  	v7 =	vadd.s32 $0x25, v1;
	v3 =	vshll.u32 v3, $0x1  }
0x95: {  	v3 =	vadd.s32 v3, v4  }
0x96: {  	v3 =	vadd.s32 $0x18, v3  }
0x97: {  	[tilespmem:v5+s8+$0x0] =	vst.idx.msk $0xffff, v3  }
0x98: {  	v3 =	vld.idx.msk [tilespmem:v6+s2+$0x0], $0xffff  }
0x99: {  	v4 =	vld.idx.msk [tilespmem:v7+s2+$0x0], $0xffff;
	_ =	sdelay $0x1  }
0x9a: {  	v5 =	vadd.s32 $0x11, v2  }
0x9b: {  	v6 =	vadd.s32 $0x1A, v1  }
0x9c: {  	v7 =	vadd.s32 $0x26, v1;
	v3 =	vshll.u32 v3, $0x1  }
0x9d: {  	v3 =	vadd.s32 v3, v4  }
0x9e: {  	v3 =	vadd.s32 $0x18, v3  }
0x9f: {  	[tilespmem:v5+s8+$0x0] =	vst.idx.msk $0xffff, v3  }
0xa0: {  	v3 =	vld.idx.msk [tilespmem:v6+s2+$0x0], $0xffff  }
0xa1: {  	v4 =	vld.idx.msk [tilespmem:v7+s2+$0x0], $0xffff;
	_ =	sdelay $0x1  }
0xa2: {  	v5 =	vadd.s32 $0x12, v2  }
0xa3: {  	v6 =	vadd.s32 $0x1B, v1  }
0xa4: {  	v1 =	vadd.s32 $0x27, v1;
	v3 =	vshll.u32 v3, $0x1  }
0xa5: {  	v3 =	vadd.s32 v3, v4  }
0xa6: {  	v3 =	vadd.s32 $0x18, v3  }
0xa7: {  	[tilespmem:v5+s8+$0x0] =	vst.idx.msk $0xffff, v3  }
0xa8: {  	v4 =	vld.idx.msk [tilespmem:v6+s2+$0x0], $0xffff  }
0xa9: {  	v5 =	vld.idx.msk [tilespmem:v1+s2+$0x0], $0xffff;
	_ =	sdelay $0x2  }
0xaa: {  	s13 =	simm.s32 $0x10  }
0xab: {  	v3 =	vor.u32 s13, v0;
	v4 =	vshll.u32 v4, $0x1  }
0xac: {  	v1 =	vmul.u32 $0x28, v3;
	v5 =	vadd.s32 v4, v5;
	v4 =	vadd.s32 $0x13, v2;
	_ =	sdelay $0x2  }
0xad: {  	s14 =	simm.s32 $0x20;
	s13 =	simm.s32 $0x0;
	v2 =	vadd.s32 $0x8, v1;
	v5 =	vadd.s32 $0x18, v5  }
.LBB2_2:
0xae: {  	s16 =	simm.s32 $0x0  }
0xaf: {  	p0 =	sne.s32 s14, $0x1F0;
	[tilespmem:v4+s8+$0x0] =	vst.idx.msk $0xffff, v5;
	s15 =	smov.u32 s14;
	s14 =	sadd.s32 $0x10, s14  }
0xb0: {  	v4 =	vld.idx.msk [tilespmem:v1+s13+$0x0], $0xffff;
	_ =	sdelay $0x1  }
0xb1: {  	v5 =	vld.idx.msk [tilespmem:v2+s13+$0x0], $0xffff  }
0xb2: {  	v2 =	vmul.u32 $0x14, v3;
	_ =	sdelay $0x1  }
0xb3: {  	v6 =	vor.u32 $0x1, v1;
	v3 =	vand.u32 $0x3FFC, v2  }
0xb4: {  	v4 =	vmul.u32 $0x3, v4  }
0xb5: {  	v7 =	vadd.s32 $0x9, v1  }
0xb6: {  	v4 =	vadd.s32 v5, v4  }
0xb7: {  	[tilespmem:v2+s8+$0x0] =	vst.idx.msk $0xffff, v4  }
0xb8: {  	v4 =	vld.idx.msk [tilespmem:v6+s13+$0x0], $0xffff;
	_ =	sdelay $0x1  }
0xb9: {  	v5 =	vld.idx.msk [tilespmem:v7+s13+$0x0], $0xffff;
	_ =	sdelay $0x1  }
0xba: {  	v6 =	vor.u32 $0x1, v2  }
0xbb: {  	v7 =	vor.u32 $0x2, v1  }
0xbc: {  	v4 =	vmul.u32 $0x3, v4  }
0xbd: {  	v8 =	vadd.s32 $0xA, v1  }
0xbe: {  	v4 =	vadd.s32 v5, v4  }
0xbf: {  	[tilespmem:v6+s8+$0x0] =	vst.idx.msk $0xffff, v4  }
0xc0: {  	v4 =	vld.idx.msk [tilespmem:v7+s13+$0x0], $0xffff;
	_ =	sdelay $0x1  }
0xc1: {  	v5 =	vld.idx.msk [tilespmem:v8+s13+$0x0], $0xffff;
	_ =	sdelay $0x1  }
0xc2: {  	v6 =	vor.u32 $0x2, v2  }
0xc3: {  	v7 =	vor.u32 $0x3, v1  }
0xc4: {  	v4 =	vmul.u32 $0x3, v4  }
0xc5: {  	v8 =	vadd.s32 $0xB, v1  }
0xc6: {  	v4 =	vadd.s32 v5, v4  }
0xc7: {  	[tilespmem:v6+s8+$0x0] =	vst.idx.msk $0xffff, v4  }
0xc8: {  	v4 =	vld.idx.msk [tilespmem:v7+s13+$0x0], $0xffff;
	_ =	sdelay $0x1  }
0xc9: {  	v5 =	vld.idx.msk [tilespmem:v8+s13+$0x0], $0xffff;
	_ =	sdelay $0x1  }
0xca: {  	v6 =	vor.u32 $0x3, v2  }
0xcb: {  	v7 =	vor.u32 $0x4, v1  }
0xcc: {  	v4 =	vmul.u32 $0x3, v4  }
0xcd: {  	v8 =	vadd.s32 $0xC, v1  }
0xce: {  	v4 =	vadd.s32 v5, v4  }
0xcf: {  	[tilespmem:v6+s8+$0x0] =	vst.idx.msk $0xffff, v4  }
0xd0: {  	v4 =	vld.idx.msk [tilespmem:v7+s13+$0x0], $0xffff;
	_ =	sdelay $0x1  }
0xd1: {  	v5 =	vld.idx.msk [tilespmem:v8+s13+$0x0], $0xffff;
	_ =	sdelay $0x1  }
0xd2: {  	v6 =	vadd.s32 $0x4, v2  }
0xd3: {  	v7 =	vor.u32 $0x5, v1  }
0xd4: {  	v4 =	vmul.u32 $0x3, v4  }
0xd5: {  	v8 =	vadd.s32 $0xD, v1  }
0xd6: {  	v4 =	vadd.s32 v5, v4  }
0xd7: {  	[tilespmem:v6+s8+$0x0] =	vst.idx.msk $0xffff, v4  }
0xd8: {  	v4 =	vld.idx.msk [tilespmem:v7+s13+$0x0], $0xffff;
	_ =	sdelay $0x1  }
0xd9: {  	v5 =	vld.idx.msk [tilespmem:v8+s13+$0x0], $0xffff;
	_ =	sdelay $0x1  }
0xda: {  	v6 =	vadd.s32 $0x5, v2  }
0xdb: {  	v7 =	vor.u32 $0x6, v1  }
0xdc: {  	v4 =	vmul.u32 $0x3, v4  }
0xdd: {  	v8 =	vadd.s32 $0xE, v1  }
0xde: {  	v4 =	vadd.s32 v5, v4  }
0xdf: {  	[tilespmem:v6+s8+$0x0] =	vst.idx.msk $0xffff, v4  }
0xe0: {  	v4 =	vld.idx.msk [tilespmem:v7+s13+$0x0], $0xffff;
	_ =	sdelay $0x1  }
0xe1: {  	v5 =	vld.idx.msk [tilespmem:v8+s13+$0x0], $0xffff;
	_ =	sdelay $0x1  }
0xe2: {  	v6 =	vadd.s32 $0x6, v2  }
0xe3: {  	v7 =	vor.u32 $0x7, v1  }
0xe4: {  	v4 =	vmul.u32 $0x3, v4  }
0xe5: {  	v8 =	vadd.s32 $0xF, v1  }
0xe6: {  	v4 =	vadd.s32 v5, v4  }
0xe7: {  	[tilespmem:v6+s8+$0x0] =	vst.idx.msk $0xffff, v4  }
0xe8: {  	v4 =	vld.idx.msk [tilespmem:v7+s13+$0x0], $0xffff;
	_ =	sdelay $0x1  }
0xe9: {  	v5 =	vld.idx.msk [tilespmem:v8+s13+$0x0], $0xffff;
	_ =	sdelay $0x1  }
0xea: {  	v6 =	vadd.s32 $0x7, v2  }
0xeb: {  	v7 =	vadd.s32 $0x10, v1  }
0xec: {  	v8 =	vadd.s32 $0x1C, v1;
	v4 =	vmul.u32 $0x3, v4;
	_ =	sdelay $0x1  }
0xed: {  	v4 =	vadd.s32 v5, v4  }
0xee: {  	[tilespmem:v6+s8+$0x0] =	vst.idx.msk $0xffff, v4  }
0xef: {  	v4 =	vld.idx.msk [tilespmem:v7+s13+$0x0], $0xffff  }
0xf0: {  	v5 =	vld.idx.msk [tilespmem:v8+s13+$0x0], $0xffff;
	_ =	sdelay $0x2  }
0xf1: {  	v6 =	vadd.s32 $0x8, v3  }
0xf2: {  	v7 =	vadd.s32 $0x11, v1  }
0xf3: {  	v8 =	vadd.s32 $0x1D, v1;
	v4 =	vshll.u32 v4, $0x1  }
0xf4: {  	v4 =	vadd.s32 v4, v5  }
0xf5: {  	v4 =	vadd.s32 $0x18, v4  }
0xf6: {  	[tilespmem:v6+s8+$0x0] =	vst.idx.msk $0xffff, v4  }
0xf7: {  	v4 =	vld.idx.msk [tilespmem:v7+s13+$0x0], $0xffff  }
0xf8: {  	v5 =	vld.idx.msk [tilespmem:v8+s13+$0x0], $0xffff;
	_ =	sdelay $0x2  }
0xf9: {  	v6 =	vadd.s32 $0x9, v2  }
0xfa: {  	v7 =	vadd.s32 $0x12, v1  }
0xfb: {  	v8 =	vadd.s32 $0x1E, v1;
	v4 =	vshll.u32 v4, $0x1  }
0xfc: {  	v4 =	vadd.s32 v4, v5  }
0xfd: {  	v4 =	vadd.s32 $0x18, v4  }
0xfe: {  	[tilespmem:v6+s8+$0x0] =	vst.idx.msk $0xffff, v4  }
0xff: {  	v4 =	vld.idx.msk [tilespmem:v7+s13+$0x0], $0xffff  }
0x100: {  	v5 =	vld.idx.msk [tilespmem:v8+s13+$0x0], $0xffff;
	_ =	sdelay $0x2  }
0x101: {  	v6 =	vadd.s32 $0xA, v2  }
0x102: {  	v7 =	vadd.s32 $0x13, v1  }
0x103: {  	v8 =	vadd.s32 $0x1F, v1;
	v4 =	vshll.u32 v4, $0x1  }
0x104: {  	v4 =	vadd.s32 v4, v5  }
0x105: {  	v4 =	vadd.s32 $0x18, v4  }
0x106: {  	[tilespmem:v6+s8+$0x0] =	vst.idx.msk $0xffff, v4  }
0x107: {  	v4 =	vld.idx.msk [tilespmem:v7+s13+$0x0], $0xffff  }
0x108: {  	v5 =	vld.idx.msk [tilespmem:v8+s13+$0x0], $0xffff;
	_ =	sdelay $0x2  }
0x109: {  	v6 =	vadd.s32 $0xB, v2  }
0x10a: {  	v7 =	vadd.s32 $0x14, v1  }
0x10b: {  	v8 =	vadd.s32 $0x20, v1;
	v4 =	vshll.u32 v4, $0x1  }
0x10c: {  	v4 =	vadd.s32 v4, v5  }
0x10d: {  	v4 =	vadd.s32 $0x18, v4  }
0x10e: {  	[tilespmem:v6+s8+$0x0] =	vst.idx.msk $0xffff, v4  }
0x10f: {  	v4 =	vld.idx.msk [tilespmem:v7+s13+$0x0], $0xffff  }
0x110: {  	v5 =	vld.idx.msk [tilespmem:v8+s13+$0x0], $0xffff;
	_ =	sdelay $0x2  }
0x111: {  	v6 =	vadd.s32 $0xC, v2  }
0x112: {  	v7 =	vadd.s32 $0x15, v1  }
0x113: {  	v8 =	vadd.s32 $0x21, v1;
	v4 =	vshll.u32 v4, $0x1  }
0x114: {  	v4 =	vadd.s32 v4, v5  }
0x115: {  	v4 =	vadd.s32 $0x18, v4  }
0x116: {  	[tilespmem:v6+s8+$0x0] =	vst.idx.msk $0xffff, v4  }
0x117: {  	v4 =	vld.idx.msk [tilespmem:v7+s13+$0x0], $0xffff  }
0x118: {  	v5 =	vld.idx.msk [tilespmem:v8+s13+$0x0], $0xffff;
	_ =	sdelay $0x2  }
0x119: {  	v6 =	vadd.s32 $0xD, v2  }
0x11a: {  	v7 =	vadd.s32 $0x16, v1  }
0x11b: {  	v8 =	vadd.s32 $0x22, v1;
	v4 =	vshll.u32 v4, $0x1  }
0x11c: {  	v4 =	vadd.s32 v4, v5  }
0x11d: {  	v4 =	vadd.s32 $0x18, v4  }
0x11e: {  	[tilespmem:v6+s8+$0x0] =	vst.idx.msk $0xffff, v4  }
0x11f: {  	v4 =	vld.idx.msk [tilespmem:v7+s13+$0x0], $0xffff  }
0x120: {  	v5 =	vld.idx.msk [tilespmem:v8+s13+$0x0], $0xffff;
	_ =	sdelay $0x2  }
0x121: {  	v6 =	vadd.s32 $0xE, v2  }
0x122: {  	v7 =	vadd.s32 $0x17, v1  }
0x123: {  	v8 =	vadd.s32 $0x23, v1;
	v4 =	vshll.u32 v4, $0x1  }
0x124: {  	v4 =	vadd.s32 v4, v5  }
0x125: {  	v4 =	vadd.s32 $0x18, v4  }
0x126: {  	[tilespmem:v6+s8+$0x0] =	vst.idx.msk $0xffff, v4  }
0x127: {  	v4 =	vld.idx.msk [tilespmem:v7+s13+$0x0], $0xffff  }
0x128: {  	v5 =	vld.idx.msk [tilespmem:v8+s13+$0x0], $0xffff;
	_ =	sdelay $0x2  }
0x129: {  	v6 =	vadd.s32 $0xF, v2  }
0x12a: {  	v7 =	vadd.s32 $0x18, v1  }
0x12b: {  	v8 =	vadd.s32 $0x24, v1;
	v4 =	vshll.u32 v4, $0x1  }
0x12c: {  	v4 =	vadd.s32 v4, v5  }
0x12d: {  	v4 =	vadd.s32 $0x18, v4  }
0x12e: {  	[tilespmem:v6+s8+$0x0] =	vst.idx.msk $0xffff, v4  }
0x12f: {  	v4 =	vld.idx.msk [tilespmem:v7+s13+$0x0], $0xffff  }
0x130: {  	v5 =	vld.idx.msk [tilespmem:v8+s13+$0x0], $0xffff;
	_ =	sdelay $0x2  }
0x131: {  	v3 =	vadd.s32 $0x10, v3  }
0x132: {  	v6 =	vadd.s32 $0x19, v1  }
0x133: {  	v7 =	vadd.s32 $0x25, v1;
	v4 =	vshll.u32 v4, $0x1  }
0x134: {  	v4 =	vadd.s32 v4, v5  }
0x135: {  	v4 =	vadd.s32 $0x18, v4  }
0x136: {  	[tilespmem:v3+s8+$0x0] =	vst.idx.msk $0xffff, v4  }
0x137: {  	v3 =	vld.idx.msk [tilespmem:v6+s13+$0x0], $0xffff  }
0x138: {  	v4 =	vld.idx.msk [tilespmem:v7+s13+$0x0], $0xffff;
	_ =	sdelay $0x2  }
0x139: {  	v5 =	vadd.s32 $0x11, v2  }
0x13a: {  	v6 =	vadd.s32 $0x1A, v1  }
0x13b: {  	v7 =	vadd.s32 $0x26, v1;
	v3 =	vshll.u32 v3, $0x1  }
0x13c: {  	v3 =	vadd.s32 v3, v4  }
0x13d: {  	v3 =	vadd.s32 $0x18, v3  }
0x13e: {  	[tilespmem:v5+s8+$0x0] =	vst.idx.msk $0xffff, v3  }
0x13f: {  	v3 =	vld.idx.msk [tilespmem:v6+s13+$0x0], $0xffff  }
0x140: {  	v4 =	vld.idx.msk [tilespmem:v7+s13+$0x0], $0xffff;
	_ =	sdelay $0x2  }
0x141: {  	v5 =	vadd.s32 $0x12, v2  }
0x142: {  	v6 =	vadd.s32 $0x1B, v1  }
0x143: {  	v1 =	vadd.s32 $0x27, v1;
	v3 =	vshll.u32 v3, $0x1  }
0x144: {  	v3 =	vadd.s32 v3, v4  }
0x145: {  	v3 =	vadd.s32 $0x18, v3  }
0x146: {  	[tilespmem:v5+s8+$0x0] =	vst.idx.msk $0xffff, v3  }
0x147: {  	v5 =	vld.idx.msk [tilespmem:v6+s13+$0x0], $0xffff  }
0x148: {  	v6 =	vld.idx.msk [tilespmem:v1+s13+$0x0], $0xffff;
	s13 =	smov.u32 s16;
	_ =	sdelay $0x1  }
0x149: {  	v3 =	vor.u32 s15, v0  }
.Ltmp0:
0x14a: {  	v4 =	vadd.s32 $0x13, v2;
	v1 =	vmul.u32 $0x28, v3;
	(pc) =	sbr.rel @p0 .LBB2_2-.Ltmp0, $4  }
0x14b: {  	_ = 	snop  }
0x14c: {  	v2 =	vadd.s32 $0x8, v1;
	v5 =	vshll.u32 v5, $0x1  }
0x14d: {  	v5 =	vadd.s32 v5, v6  }
0x14e: {  	v5 =	vadd.s32 $0x18, v5  }
0x14f: {  	_ =	sdelay $0x3  }
0x150: {  	[tilespmem:v4+s8+$0x0] =	vst.idx.msk $0xffff, v5  }
0x151: {  	v4 =	vld.idx.msk [tilespmem:v1+s13+$0x0], $0xffff;
	_ =	sdelay $0x1  }
0x152: {  	v5 =	vld.idx.msk [tilespmem:v2+s13+$0x0], $0xffff;
	v2 =	vmul.u32 $0x14, v3;
	_ =	sdelay $0x1  }
0x153: {  	v3 =	vor.u32 $0x1, v1  }
0x154: {  	v4 =	vmul.u32 $0x3, v4  }
0x155: {  	v6 =	vadd.s32 $0x9, v1  }
0x156: {  	v4 =	vadd.s32 v5, v4  }
0x157: {  	[tilespmem:v2+s8+$0x0] =	vst.idx.msk $0xffff, v4  }
0x158: {  	v3 =	vld.idx.msk [tilespmem:v3+s13+$0x0], $0xffff;
	_ =	sdelay $0x1  }
0x159: {  	v4 =	vld.idx.msk [tilespmem:v6+s13+$0x0], $0xffff  }
0x15a: {  	v51 =	vor.u32 $0x1, v2  }
0x15b: {  	v52 =	vor.u32 $0x2, v1  }
0x15c: {  	v3 =	vmul.u32 $0x3, v3  }
0x15d: {  	v7 =	vadd.s32 $0xA, v1  }
0x15e: {  	v3 =	vadd.s32 v4, v3  }
0x15f: {  	[tilespmem:v51+s8+$0x0] =	vst.idx.msk $0xffff, v3  }
0x160: {  	v3 =	vld.idx.msk [tilespmem:v52+s13+$0x0], $0xffff;
	_ =	sdelay $0x1  }
0x161: {  	v53 =	vld.idx.msk [tilespmem:v7+s13+$0x0], $0xffff  }
0x162: {  	v54 =	vor.u32 $0x2, v2  }
0x163: {  	v55 =	vor.u32 $0x3, v1  }
0x164: {  	v3 =	vmul.u32 $0x3, v3  }
0x165: {  	v56 =	vadd.s32 $0xB, v1  }
0x166: {  	v3 =	vadd.s32 v53, v3  }
0x167: {  	[tilespmem:v54+s8+$0x0] =	vst.idx.msk $0xffff, v3  }
0x168: {  	v3 =	vld.idx.msk [tilespmem:v55+s13+$0x0], $0xffff;
	_ =	sdelay $0x1  }
0x169: {  	v57 =	vld.idx.msk [tilespmem:v56+s13+$0x0], $0xffff  }
0x16a: {  	v58 =	vor.u32 $0x3, v2  }
0x16b: {  	v59 =	vor.u32 $0x4, v1  }
0x16c: {  	v3 =	vmul.u32 $0x3, v3  }
0x16d: {  	v60 =	vadd.s32 $0xC, v1  }
0x16e: {  	v3 =	vadd.s32 v57, v3  }
0x16f: {  	[tilespmem:v58+s8+$0x0] =	vst.idx.msk $0xffff, v3  }
0x170: {  	v3 =	vld.idx.msk [tilespmem:v59+s13+$0x0], $0xffff;
	_ =	sdelay $0x1  }
0x171: {  	v61 =	vld.idx.msk [tilespmem:v60+s13+$0x0], $0xffff  }
0x172: {  	v62 =	vadd.s32 $0x4, v2  }
0x173: {  	v63 =	vor.u32 $0x5, v1  }
0x174: {  	v3 =	vmul.u32 $0x3, v3  }
0x175: {  	v9 =	vadd.s32 $0xD, v1  }
0x176: {  	v3 =	vadd.s32 v61, v3  }
0x177: {  	[tilespmem:v62+s8+$0x0] =	vst.idx.msk $0xffff, v3  }
0x178: {  	v3 =	vld.idx.msk [tilespmem:v63+s13+$0x0], $0xffff;
	_ =	sdelay $0x1  }
0x179: {  	v10 =	vld.idx.msk [tilespmem:v9+s13+$0x0], $0xffff  }
0x17a: {  	v11 =	vadd.s32 $0x5, v2  }
0x17b: {  	v12 =	vor.u32 $0x6, v1  }
0x17c: {  	v3 =	vmul.u32 $0x3, v3  }
0x17d: {  	v13 =	vadd.s32 $0xE, v1  }
0x17e: {  	v3 =	vadd.s32 v10, v3  }
0x17f: {  	[tilespmem:v11+s8+$0x0] =	vst.idx.msk $0xffff, v3  }
0x180: {  	v3 =	vld.idx.msk [tilespmem:v12+s13+$0x0], $0xffff;
	_ =	sdelay $0x1  }
0x181: {  	v14 =	vld.idx.msk [tilespmem:v13+s13+$0x0], $0xffff  }
0x182: {  	v15 =	vadd.s32 $0x6, v2  }
0x183: {  	v16 =	vor.u32 $0x7, v1  }
0x184: {  	v3 =	vmul.u32 $0x3, v3  }
0x185: {  	v17 =	vadd.s32 $0xF, v1  }
0x186: {  	v3 =	vadd.s32 v14, v3  }
0x187: {  	[tilespmem:v15+s8+$0x0] =	vst.idx.msk $0xffff, v3  }
0x188: {  	v3 =	vld.idx.msk [tilespmem:v16+s13+$0x0], $0xffff;
	_ =	sdelay $0x1  }
0x189: {  	v18 =	vld.idx.msk [tilespmem:v17+s13+$0x0], $0xffff  }
0x18a: {  	v19 =	vadd.s32 $0x7, v2  }
0x18b: {  	v20 =	vadd.s32 $0x10, v1  }
0x18c: {  	v21 =	vadd.s32 $0x1C, v1;
	v3 =	vmul.u32 $0x3, v3;
	_ =	sdelay $0x1  }
0x18d: {  	v3 =	vadd.s32 v18, v3  }
0x18e: {  	[tilespmem:v19+s8+$0x0] =	vst.idx.msk $0xffff, v3  }
0x18f: {  	v3 =	vld.idx.msk [tilespmem:v20+s13+$0x0], $0xffff  }
0x190: {  	v22 =	vld.idx.msk [tilespmem:v21+s13+$0x0], $0xffff  }
0x191: {  	v23 =	vand.u32 $0x3FFC, v2  }
0x192: {  	v24 =	vadd.s32 $0x8, v23  }
0x193: {  	v25 =	vadd.s32 $0x11, v1  }
0x194: {  	v8 =	vadd.s32 $0x1D, v1;
	v3 =	vshll.u32 v3, $0x1  }
0x195: {  	v3 =	vadd.s32 v3, v22  }
0x196: {  	v3 =	vadd.s32 $0x18, v3  }
0x197: {  	[tilespmem:v24+s8+$0x0] =	vst.idx.msk $0xffff, v3  }
0x198: {  	v3 =	vld.idx.msk [tilespmem:v25+s13+$0x0], $0xffff  }
0x199: {  	v26 =	vld.idx.msk [tilespmem:v8+s13+$0x0], $0xffff;
	_ =	sdelay $0x1  }
0x19a: {  	v27 =	vadd.s32 $0x9, v2  }
0x19b: {  	v28 =	vadd.s32 $0x12, v1  }
0x19c: {  	v29 =	vadd.s32 $0x1E, v1;
	v3 =	vshll.u32 v3, $0x1  }
0x19d: {  	v3 =	vadd.s32 v3, v26  }
0x19e: {  	v3 =	vadd.s32 $0x18, v3  }
0x19f: {  	[tilespmem:v27+s8+$0x0] =	vst.idx.msk $0xffff, v3  }
0x1a0: {  	v3 =	vld.idx.msk [tilespmem:v28+s13+$0x0], $0xffff  }
0x1a1: {  	v30 =	vld.idx.msk [tilespmem:v29+s13+$0x0], $0xffff;
	_ =	sdelay $0x1  }
0x1a2: {  	v31 =	vadd.s32 $0xA, v2  }
0x1a3: {  	v32 =	vadd.s32 $0x13, v1  }
0x1a4: {  	v33 =	vadd.s32 $0x1F, v1;
	v3 =	vshll.u32 v3, $0x1  }
0x1a5: {  	v3 =	vadd.s32 v3, v30  }
0x1a6: {  	v3 =	vadd.s32 $0x18, v3  }
0x1a7: {  	[tilespmem:v31+s8+$0x0] =	vst.idx.msk $0xffff, v3  }
0x1a8: {  	v3 =	vld.idx.msk [tilespmem:v32+s13+$0x0], $0xffff  }
0x1a9: {  	v34 =	vld.idx.msk [tilespmem:v33+s13+$0x0], $0xffff;
	_ =	sdelay $0x1  }
0x1aa: {  	v35 =	vadd.s32 $0xB, v2  }
0x1ab: {  	v36 =	vadd.s32 $0x14, v1  }
0x1ac: {  	v37 =	vadd.s32 $0x20, v1;
	v3 =	vshll.u32 v3, $0x1  }
0x1ad: {  	v3 =	vadd.s32 v3, v34  }
0x1ae: {  	v3 =	vadd.s32 $0x18, v3  }
0x1af: {  	[tilespmem:v35+s8+$0x0] =	vst.idx.msk $0xffff, v3  }
0x1b0: {  	v3 =	vld.idx.msk [tilespmem:v36+s13+$0x0], $0xffff  }
0x1b1: {  	v38 =	vld.idx.msk [tilespmem:v37+s13+$0x0], $0xffff;
	_ =	sdelay $0x1  }
0x1b2: {  	v39 =	vadd.s32 $0xC, v2  }
0x1b3: {  	v40 =	vadd.s32 $0x15, v1  }
0x1b4: {  	v41 =	vadd.s32 $0x21, v1;
	v3 =	vshll.u32 v3, $0x1  }
0x1b5: {  	v3 =	vadd.s32 v3, v38  }
0x1b6: {  	v3 =	vadd.s32 $0x18, v3  }
0x1b7: {  	[tilespmem:v39+s8+$0x0] =	vst.idx.msk $0xffff, v3  }
0x1b8: {  	v3 =	vld.idx.msk [tilespmem:v40+s13+$0x0], $0xffff  }
0x1b9: {  	v42 =	vld.idx.msk [tilespmem:v41+s13+$0x0], $0xffff;
	_ =	sdelay $0x1  }
0x1ba: {  	v43 =	vadd.s32 $0xD, v2  }
0x1bb: {  	v44 =	vadd.s32 $0x16, v1  }
0x1bc: {  	v45 =	vadd.s32 $0x22, v1;
	v3 =	vshll.u32 v3, $0x1  }
0x1bd: {  	v3 =	vadd.s32 v3, v42  }
0x1be: {  	v3 =	vadd.s32 $0x18, v3  }
0x1bf: {  	[tilespmem:v43+s8+$0x0] =	vst.idx.msk $0xffff, v3  }
0x1c0: {  	v3 =	vld.idx.msk [tilespmem:v44+s13+$0x0], $0xffff  }
0x1c1: {  	v46 =	vld.idx.msk [tilespmem:v45+s13+$0x0], $0xffff;
	_ =	sdelay $0x1  }
0x1c2: {  	v47 =	vadd.s32 $0xE, v2  }
0x1c3: {  	v48 =	vadd.s32 $0x17, v1  }
0x1c4: {  	v49 =	vadd.s32 $0x23, v1;
	v3 =	vshll.u32 v3, $0x1  }
0x1c5: {  	v3 =	vadd.s32 v3, v46  }
0x1c6: {  	v3 =	vadd.s32 $0x18, v3  }
0x1c7: {  	[tilespmem:v47+s8+$0x0] =	vst.idx.msk $0xffff, v3  }
0x1c8: {  	v3 =	vld.idx.msk [tilespmem:v48+s13+$0x0], $0xffff  }
0x1c9: {  	v50 =	vld.idx.msk [tilespmem:v49+s13+$0x0], $0xffff;
	_ =	sdelay $0x1  }
0x1ca: {  	v51 =	vadd.s32 $0xF, v2  }
0x1cb: {  	v52 =	vadd.s32 $0x18, v1  }
0x1cc: {  	v53 =	vadd.s32 $0x24, v1;
	v3 =	vshll.u32 v3, $0x1  }
0x1cd: {  	v3 =	vadd.s32 v3, v50  }
0x1ce: {  	v3 =	vadd.s32 $0x18, v3  }
0x1cf: {  	[tilespmem:v51+s8+$0x0] =	vst.idx.msk $0xffff, v3  }
0x1d0: {  	v3 =	vld.idx.msk [tilespmem:v52+s13+$0x0], $0xffff  }
0x1d1: {  	v54 =	vld.idx.msk [tilespmem:v53+s13+$0x0], $0xffff;
	_ =	sdelay $0x1  }
0x1d2: {  	v5 =	vadd.s32 $0x10, v23  }
0x1d3: {  	v55 =	vadd.s32 $0x19, v1  }
0x1d4: {  	v56 =	vadd.s32 $0x25, v1;
	v3 =	vshll.u32 v3, $0x1  }
0x1d5: {  	v3 =	vadd.s32 v3, v54  }
0x1d6: {  	v3 =	vadd.s32 $0x18, v3  }
0x1d7: {  	[tilespmem:v5+s8+$0x0] =	vst.idx.msk $0xffff, v3  }
0x1d8: {  	v3 =	vld.idx.msk [tilespmem:v55+s13+$0x0], $0xffff  }
0x1d9: {  	v57 =	vld.idx.msk [tilespmem:v56+s13+$0x0], $0xffff;
	_ =	sdelay $0x1  }
0x1da: {  	v58 =	vadd.s32 $0x11, v2  }
0x1db: {  	v59 =	vadd.s32 $0x1A, v1  }
0x1dc: {  	v60 =	vadd.s32 $0x26, v1;
	v3 =	vshll.u32 v3, $0x1  }
0x1dd: {  	v3 =	vadd.s32 v3, v57  }
0x1de: {  	v3 =	vadd.s32 $0x18, v3  }
0x1df: {  	[tilespmem:v58+s8+$0x0] =	vst.idx.msk $0xffff, v3  }
0x1e0: {  	v3 =	vld.idx.msk [tilespmem:v59+s13+$0x0], $0xffff  }
0x1e1: {  	v61 =	vld.idx.msk [tilespmem:v60+s13+$0x0], $0xffff;
	_ =	sdelay $0x1  }
0x1e2: {  	v62 =	vadd.s32 $0x12, v2  }
0x1e3: {  	v63 =	vadd.s32 $0x1B, v1  }
0x1e4: {  	v1 =	vadd.s32 $0x27, v1;
	v3 =	vshll.u32 v3, $0x1  }
0x1e5: {  	v3 =	vadd.s32 v3, v61  }
0x1e6: {  	v3 =	vadd.s32 $0x18, v3  }
0x1e7: {  	[tilespmem:v62+s8+$0x0] =	vst.idx.msk $0xffff, v3  }
0x1e8: {  	v3 =	vld.idx.msk [tilespmem:v63+s13+$0x0], $0xffff  }
0x1e9: {  	v1 =	vld.idx.msk [tilespmem:v1+s13+$0x0], $0xffff;
	_ =	sdelay $0x1  }
0x1ea: {  	v2 =	vadd.s32 $0x13, v2;
	_ =	sdelay $0x1  }
0x1eb: {  	v3 =	vshll.u32 v3, $0x1  }
0x1ec: {  	v1 =	vadd.s32 v3, v1  }
0x1ed: {  	v1 =	vadd.s32 $0x18, v1  }
0x1ee: {  	s31 =	simm.s32 $0x5000;
	[tilespmem:v2+s8+$0x0] =	vst.idx.msk $0xffff, v1  }
0x1ef: {  	[tilespmem:s10], [sflag:$0x1] =	stream.indirect.gather [hbm4b:s3+s9], $0x80, s31, s9, $0xb8;
	[tilespmem:$0xB800] =	vst v63  }
0x1f0: {  	_ =	swait.ge [sflag:s11], $0x4000  }
0x1f1: {  	[sflag:s11] =	ssyncset.done $0x0  }
0x1f2: {  	[sflag:s11] =	ssyncadd.s32 $0xFFFFC000  }
0x1f3: {  	[hbm4b:s6+s2] =	stream.linear.scatter [tilespmem:s10], [sflag:$0x2], $0x4000, $0x38;
	[tilespmem:$0xB800] =	vst v63  }
0x1f4: {  	s14 =	simm.s32 $0x400;
	_ =	swait.ge [sflag:s7], $0x4000  }
0x1f5: {  	s15 =	simm.s32 $0x80;
	s13 =	sadd.s32 $0x800, s6;
	[sflag:s7] =	ssyncset.done $0x0  }
.LBB2_4:
0x1f6: {  	s15 =	sadd.s32 $0x5000, s15  }
0x1f7: {  	[sflag:s7] =	ssyncadd.s32 $0xFFFFC000;
	s16 =	smov.u32 s14;
	s17 =	sadd.s32 $0x200, s14  }
0x1f8: {  	[tilespmem:s10], [sflag:$0x1] =	stream.indirect.gather [hbm4b:s3+s9], $0x80, s15, s9, $0xb8;
	[tilespmem:$0xB800] =	vst v63  }
0x1f9: {  	p0 =	sne.s32 s14, $0x9E00;
	_ =	swait.ge [sflag:s11], $0x4000  }
.Ltmp1:
0x1fa: {  	[sflag:s11] =	ssyncset.done $0x0;
	(pc) =	sbr.rel @p0 .LBB2_4-.Ltmp1, $4  }
0x1fb: {  	[sflag:s11] =	ssyncadd.s32 $0xFFFFC000  }
0x1fc: {  	[hbm4b:s13+s2] =	stream.linear.scatter [tilespmem:s10], [sflag:$0x2], $0x4000, $0x38;
	[tilespmem:$0xB800] =	vst v63  }
0x1fd: {  	s15 =	sshra.s32 s16, $0x2;
	_ =	swait.ge [sflag:s7], $0x4000  }
0x1fe: {  	s14 =	smov.u32 s17;
	s13 =	sadd.s32 $0x800, s13;
	[sflag:s7] =	ssyncset.done $0x0  }
0x1ff: {  	s14 =	sadd.s32 $0x5000, s15;
	[sflag:s7] =	ssyncadd.s32 $0xFFFFC000  }
0x200: {  	[tilespmem:s10], [sflag:$0x1] =	stream.indirect.gather [hbm4b:s3+s9], $0x80, s14, s9, $0xb8;
	[tilespmem:$0xB800] =	vst v63  }
0x201: {  	s12 =	sadd.s32 $0x1, s12;
	_ =	swait.ge [sflag:s11], $0x4000  }
0x202: {  	p0 =	sne.s32 s12, s5;
	[sflag:s11] =	ssyncset.done $0x0  }
.Ltmp2:
0x203: {  	[sflag:s11] =	ssyncadd.s32 $0xFFFFC000;
	(pc) =	sbr.rel @p0 .LBB2_1-.Ltmp2, $4  }
0x204: {  	[hbm4b:s13+s2] =	stream.linear.scatter [tilespmem:s10], [sflag:$0x2], $0x4000, $0x38;
	[tilespmem:$0xB800] =	vst v63  }
0x205: {  	_ =	swait.ge [sflag:s7], $0x4000  }
0x206: {  	[sflag:s7] =	ssyncset.done $0x0  }
0x207: {  	[sflag:s7] =	ssyncadd.s32 $0xFFFFC000  }
0x208: {  	_ =	sfence.sel $0x180000  }
0x209: {  	[bflag:$0x0] =	sbarrier.arrive $0xFFFF  }
0x20a: {  	p0 =	sne.s32 s0, $0x0;
	_ =	strace $0x90000047  }
0x20b: {  	s0 =	sadd.s32 @!p0 $0x100000, s1;
	[bflag:$0x2] =	sbarrier.arrive $0xFFFF  }
0x20c: {  	[sflag:s0] =	ssyncadd.tile.s32 @!p0 $0x1;
	_ =	shalt  }
.Lfunc_end2:
_tile_overlayer_lowered:
.L_overlay_start_2:
0x20d: {  	(tag) =	ssettag $0x2  }
0x20e: {  	s0 =	rddreg [dreg:$0x0];
	s2 =	stileid.u32  }
0x20f: {  	s1 =	rddreg [dreg:$0x1];
	p0 =	sne.s32 s2, $0x0  }
0x210: {  	s3 =	rddreg [dreg:$0x2];
	[bflag:$0x3] =	sbarrier.arrive $0xFFFF;
	s2 =	simm.s32 @!p0 $0x1C02  }
0x211: {  	[timem:s3], [sflag:s2] =	dma.local @!p0 [hbm:s0], s1  }
0x212: {  	s0 =	simm.s32 @!p0 $0x2  }
0x213: {  	_ =	swait.ge @!p0 [sflag:s0], s1  }
0x214: {  	s1 =	ssub.s32 @!p0 $0x0, s1;
	[sflag:s0] =	ssyncset.done @!p0 $0x0  }
0x215: {  	[sflag:s0] =	ssyncadd.s32 @!p0 s1  }
0x216: {  	[bflag:$0x3] =	sbarrier.arrive $0xFFFF  }
0x217: {  	_ =	shalt  }

// kernel: sparse-core-data-format-call.cloned.1.call-start
scs
called_computation_lowered:
.L_overlay_start_0:
0x0: {  	s2 =	sld [smem:$0x3FD9]  }
0x1: {  	s3 =	sld [smem:$0x3FFE];
	_ =	sdelay $0x1  }
0x2: {  	s1 =	srdreg.scid  }
0x3: {  	s0 =	sand.u32 $0x1, s1  }
0x4: {  	s18 =	sshll.u32 s0, $0xA;
	s2 =	sadd.s32 s3, s2  }
0x5: {  	s2 =	sadd.s32 s2, s18  }
0x6: {  	[smem:$0x3FC3] =	sst s2  }
0x7: {  	_ = 	snop  }
0x8: {  	s2 =	sld [smem:$0x3FD0];
	(tm) =	ssettm $0x1  }
0x9: {  	s19 =	sld [smem:$0x3FFB];
	_ =	sdelay $0x3  }
0xa: {  	_ =	strace s19  }
0xb: {  	s3 =	sld [smem:$0x3FFC];
	_ =	sdelay $0x3  }
0xc: {  	_ =	strace s3  }
0xd: {  	s3 =	sld [smem:$0x3FFD];
	_ =	sdelay $0x3  }
0xe: {  	_ =	strace s3  }
0xf: {  	_ =	strace $0x8FFFFFFF  }
0x10: {  	s20 =	sld [smem:$0x3FDB];
	_ =	sdelay $0x1  }
0x11: {  	s4 =	simm.s32 $_scs_section_size  }
0x12: {  	s5 =	simm.s32 $_size__tile_overlayer_lowered;
	s6 =	simm.s32 $_tile_overlayer_lowered  }
0x13: {  	s23 =	simm.s32 $0x1BFF;
	s22 =	sshll.u32 s6, $0x1;
	s3 =	sadd.s32 s4, s20  }
0x14: {  	s7 =	simm.s32 $0x0;
	s21 =	sshll.u32 s5, $0x1;
	s5 =	sadd.s32 s22, s3  }
0x15: {  	[timem:s7], [sflag:s23] =	dma.local [hbm:s5], s21  }
0x16: {  	_ =	swait.ge [sflag:s23], s21  }
0x17: {  	s4 =	ssub.s32 $0x0, s21;
	[sflag:s23] =	ssyncset.done $0x0  }
0x18: {  	[sflag:s23] =	ssyncadd.s32 s4;
	_ =	sdelay $0x1  }
0x19: {  	s24 =	simm.s32 $0x1B8B  }
0x1a: {  	_ =	swait.ge [sflag:s24], $0x1  }
0x1b: {  	[sflag:s24] =	ssyncset.done $0x0  }
0x1c: {  	s26 =	simm.s32 $0x1B8E;
	s25 =	sld [smem:$0x3FFE];
	[sflag:s24] =	ssyncadd.s32 $0xFFFFFFFF  }
0x1d: {  	s27 =	simm.s32 $execute0_lowered;
	[smem:$0x3FD2] =	sst s26  }
0x1e: {  	s5 =	sshll.u32 s27, $0x1;
	_ =	strace $0x80000049;
	[dreg:$0x1] =	wrdreg $0xFFFFFFFF  }
0x1f: {  	s28 =	simm.s32 $_size_execute0_lowered;
	s3 =	sadd.s32 s3, s5;
	[dreg:$0x0] =	wrdreg $0x0  }
0x20: {  	s5 =	sshll.u32 s28, $0x1;
	[dreg:$0x2] =	wrdreg s3  }
0x21: {  	[dreg:$0x3] =	wrdreg s5  }
0x22: {  	[dreg:$0x4] =	wrdreg $0xC0  }
0x23: {  	_ =	task [dreg:s7], $0x5FFFF  }
0x24: {  	[dreg:$0x1] =	wrdreg $0xFFFFFFFF  }
0x25: {  	[dreg:$0x0] =	wrdreg $0x60  }
0x26: {  	[dreg:$0x2] =	wrdreg s25  }
0x27: {  	[dreg:$0x3] =	wrdreg s2  }
0x28: {  	[dreg:$0x4] =	wrdreg $0x9  }
0x29: {  	_ =	task.clear_ibuf [dreg:s7], $0x5FFFF;
	_ =	strace $0x90000049  }
0x2a: {  	s29 =	simm.s32 $0x9;
	_ =	strace $0x8000004B  }
0x2b: {  	_ =	swait.ge [sflag:s29], $0x1  }
0x2c: {  	[sflag:s29] =	ssyncadd.s32 $0xFFFFFFFF  }
0x2d: {  	_ =	strace $0x9000004B  }
0x2e: {  	_ =	sfence  }
0x2f: {  	s30 =	sld [smem:$0x0];
	_ =	sdelay $0x2  }
0x30: {  	s31 =	sshll.u32 s1, $0xD;
	s1 =	sshrl.u32 s1, $0x2  }
0x31: {  	s3 =	sand.u32 $0x4000, s31;
	s1 =	sadd.s32 s1, s30  }
0x32: {  	s0 =	sor.u32 s3, s0;
	s1 =	sshll.u32 s1, $0x11  }
0x33: {  	s0 =	sor.u32 s1, s0  }
0x34: {  	s0 =	sadd.s32 $0x8F2B, s0  }
0x35: {  	[sflag:s0] =	ssyncadd.remote.s32 $0x1  }
0x36: {  	_ =	sfence.sel $0xFFFF  }
0x37: {  	[dreg:$0x0] =	wrdreg $0xFFFFFFFF;
	(pc) =	sbr.abs _section_cstart, $3  }
0x38: {  	[dreg:$0x1] =	wrdreg $0xFFFFFFFF  }
0x39: {  	_ =	task.clear_ibuf [dreg:s7], $0x2FFFF;
	_ =	strace $0x9FFFFFFF  }
0x3a: {  	(tm) =	ssettm $0x7FFFFFFF  }
0x3b: {  	_ =	shalt  }
tec
execute0_lowered:
.L_overlay_start_1:
0x0: {  	(tag) =	ssettag $0x1  }
0x1: {  	s0 =	srdreg.scid  }
0x2: {  	s1 =	sshll.u32 s0, $0x4  }
0x3: {  	s0 =	stileid.u32;
	s1 =	sand.u32 $0x10, s1  }
0x4: {  	s6 =	rddreg [dreg:$0x0];
	s1 =	sor.u32 s0, s1  }
0x5: {  	s4 =	simm.s32 $0x1;
	s7 =	simm.s32 $0x2;
	s2 =	sshll.u32 s1, $0x5  }
0x6: {  	s14 =	simm.s32 $0x0;
	s8 =	simm.s32 $0x1000;
	s1 =	ssub.s32 $0x4000, s2  }
0x7: {  	s9 =	simm.s32 $0x200000;
	s10 =	simm.s32 $0x0;
	s3 =	sand.u32 $0x3E0, s1  }
0x8: {  	s15 =	simm.s32 $0x0;
	s5 =	sshrl.u32 s1, $0xA;
	p0 =	sne.s32 s3, $0x0  }
.Ltmp0:
0x9: {  	s1 =	rddreg [dreg:$0x2];
	s4 =	simm.s32 @!p0 $0x0;
	(pc) =	sbr.rel .LBB1_1-.Ltmp0, $4  }
0xa: {  	s11 =	simm.s32 $0x0;
	s3 =	rddreg [dreg:$0x1];
	s5 =	sadd.s32 s4, s5  }
0xb: {  	_ =	strace $0x8000004A;
	s4 =	simm.s32 $0x1;
	s5 =	smul.u32 $0x5, s5  }
0xc: {  	s13 =	simm.s32 $0x0;
	s6 =	sadd.s32 $0x1200, s6;
	[sflag:s4] =	ssyncpa.u1 $0x0  }
0xd: {  	s12 =	smov.u32 s2;
	[sflag:s7] =	ssyncpa.u1 $0x0;
	s7 =	sadd.s32 $0x1, s5  }
.LBB1_7:
0xe: {  	s16 =	sadd.s32 $0x4, s11  }
0xf: {  	s14 =	sadd.s32 $0x400, s12;
	s18 =	smov.u32 s12;
	p1 =	sgt.s32 s16, $0x13  }
0x10: {  	s18 =	smov.u32 @p1 s14  }
0x11: {  	s16 =	simm.s32 @p1 $0x0;
	p1 =	sgt.s32 s18, $0x3FFF  }
0x12: {  	s18 =	smov.u32 @p1 s2;
	p1 =	sne.s32 s13, s7  }
.Ltmp1:
0x13: {  	p0 =	slt.u32 s13, $0x2;
	(pc) =	sbr.rel @!p1 .LBB1_8-.Ltmp1, $4  }
0x14: {  	s17 =	simm.s32 @!p0 $0x2  }
0x15: {  	s15 =	smov.u32 s12;
	s10 =	sadd.s32 $0x4000, s10;
	_ =	swait.ge @!p0 [sflag:s17], $0x4000  }
0x16: {  	s14 =	smov.u32 s11;
	[sflag:s17] =	ssyncset.done @!p0 $0x0;
	s11 =	smov.u32 s16  }
0x17: {  	s13 =	sadd.s32 $0x1, s13;
	[sflag:s17] =	ssyncadd.s32 @!p0 $0xFFFFC000;
	s12 =	smov.u32 s18  }
.LBB1_1:
0x18: {  	p0 =	sge.u32 s13, s5  }
0x19: {  	s16 =	sand.u32 @!p0 $0x1FFFFFF, s11  }
0x1a: {  	s17 =	smulhi.u32 @!p0 $0xAAAAAAB, s16;
	_ =	sdelay $0x1  }
0x1b: {  	s17 =	smul.u32 @!p0 $0x18, s17  }
0x1c: {  	s18 =	sxor.u32 @!p0 $0xFFFFFFFF, s13;
	s19 =	smul.u32 @!p0 $0x180, s12  }
0x1d: {  	s31 =	sadd.s32 $0xFFFFFFFF, s13;
	s18 =	sshll.u32 @!p0 s18, $0xE;
	s16 =	ssub.s32 @!p0 s16, s17  }
0x1e: {  	s17 =	sand.u32 @!p0 $0x4000, s18;
	s18 =	sadd.s32 @!p0 s6, s19;
	s16 =	sshll.u32 @!p0 s16, $0x4  }
0x1f: {  	s19 =	simm.s32 @!p0 $0xC00;
	s16 =	sadd.s32 @!p0 s16, s18;
	s18 =	simm.s32 @!p0 $0x200  }
0x20: {  	[tilespmem:s17], [sflag:$0x1] =	stream.strided.gather @!p0 [hbm4b:s16+s18], $0x4000, s19, s18, $0x38;
	[tilespmem:$0x10000] =	vst v63  }
0x21: {  	p0 =	sge.u32 s31, s5  }
.Ltmp2:
0x22: {  	_ = 	snop;
	(pc) =	sbr.rel @p0 .LBB1_7-.Ltmp2, $1  }
0x23: {  	_ =	sdelay $0x3  }
0x24: {  	s17 =	sand.u32 $0x4000, s10  }
0x25: {  	_ =	swait.ge [sflag:s4], $0x4000;
	s19 =	sshll.u32 s13, $0xE;
	s16 =	sor.u32 $0x8040, s17  }
0x26: {  	s18 =	sor.u32 $0x40, s17;
	[sflag:s4] =	ssyncset.done $0x0;
	s31 =	sand.u32 $0x4000, s19  }
0x27: {  	s19 =	simm.s32 $0x0;
	[sflag:s4] =	ssyncadd.s32 $0xFFFFC000;
	s17 =	sor.u32 $0x8000, s31  }
.LBB1_3:
0x28: {  	v0 =	vmov s18;
	_ =	sdelay $0x3  }
0x29: {  	s21 =	simm.s32 $0x0  }
0x2a: {  	v6 =	vld.idx.msk [tilespmem:v0+s21+$0x30 ss:$0x1], $0xffff  }
0x2b: {  	v7 =	vld.idx.msk [tilespmem:v0+s21+$0xFFFFFFC0 ss:$0x1], $0xffff  }
0x2c: {  	v5 =	vld.idx.msk [tilespmem:v0+s21+$0xFFFFFFD0 ss:$0x1], $0xffff  }
0x2d: {  	v4 =	vld.idx.msk [tilespmem:v0+s21+$0xFFFFFFE0 ss:$0x1], $0xffff  }
0x2e: {  	v3 =	vld.idx.msk [tilespmem:v0+s21+$0xFFFFFFF0 ss:$0x1], $0xffff  }
0x2f: {  	v1 =	vld.idx.msk [tilespmem:v0+s21+$0x0 ss:$0x1], $0xffff  }
0x30: {  	v2 =	vld.idx.msk [tilespmem:v0+s21+$0x10 ss:$0x1], $0xffff;
	[tilespmem:s16+$0x30] =	vst v6  }
0x31: {  	s20 =	simm.s32 $0x80;
	s22 =	simm.s32 $0x400;
	[tilespmem:s16+$0xFFFFFFC0] =	vst v7;
	v6 =	vld.idx.msk [tilespmem:v0+s21+$0x20 ss:$0x1], $0xffff;
	s21 =	smov.u32 s16  }
.LBB1_4:
0x32: {  	p0 =	sne.s32 s22, $0x600;
	v7 =	vld.idx.msk [tilespmem:v0+s20+$0x30 ss:$0x1], $0xffff;
	[tilespmem:s21+$0xFFFFFFD0] =	vst v5  }
0x33: {  	v8 =	vld.idx.msk [tilespmem:v0+s20+$0xFFFFFFC0 ss:$0x1], $0xffff;
	[tilespmem:s21+$0xFFFFFFE0] =	vst v4  }
0x34: {  	v5 =	vld.idx.msk [tilespmem:v0+s20+$0xFFFFFFD0 ss:$0x1], $0xffff;
	[tilespmem:s21+$0xFFFFFFF0] =	vst v3  }
.Ltmp3:
0x35: {  	v4 =	vld.idx.msk [tilespmem:v0+s20+$0xFFFFFFE0 ss:$0x1], $0xffff;
	[tilespmem:s21+$0x0] =	vst v1;
	(pc) =	sbr.rel @p0 .LBB1_4-.Ltmp3, $4  }
0x36: {  	v3 =	vld.idx.msk [tilespmem:v0+s20+$0xFFFFFFF0 ss:$0x1], $0xffff;
	[tilespmem:s21+$0x10] =	vst v2  }
0x37: {  	v1 =	vld.idx.msk [tilespmem:v0+s20+$0x0 ss:$0x1], $0xffff;
	[tilespmem:s21+$0x20] =	vst v6;
	s21 =	sadd.s32 $0x1000, s21  }
0x38: {  	v2 =	vld.idx.msk [tilespmem:v0+s20+$0x10 ss:$0x1], $0xffff;
	[tilespmem:s21+$0x30] =	vst v7  }
0x39: {  	[tilespmem:s21+$0xFFFFFFC0] =	vst v8;
	v6 =	vld.idx.msk [tilespmem:v0+s20+$0x20 ss:$0x1], $0xffff;
	s20 =	sshra.s32 s22, $0x2;
	s22 =	sadd.s32 $0x200, s22  }
0x3a: {  	_ =	sdelay $0x2  }
0x3b: {  	[tilespmem:s21+$0xFFFFFFD0] =	vst v5  }
0x3c: {  	v56 =	vld.idx.msk [tilespmem:v0+s20+$0x30 ss:$0x1], $0xffff;
	[tilespmem:s21+$0xFFFFFFE0] =	vst v4  }
0x3d: {  	v57 =	vld.idx.msk [tilespmem:v0+s20+$0xFFFFFFC0 ss:$0x1], $0xffff;
	[tilespmem:s21+$0xFFFFFFF0] =	vst v3  }
0x3e: {  	v58 =	vld.idx.msk [tilespmem:v0+s20+$0xFFFFFFD0 ss:$0x1], $0xffff;
	[tilespmem:s21+$0x0] =	vst v1  }
0x3f: {  	v59 =	vld.idx.msk [tilespmem:v0+s20+$0xFFFFFFE0 ss:$0x1], $0xffff;
	[tilespmem:s21+$0x10] =	vst v2  }
0x40: {  	v60 =	vld.idx.msk [tilespmem:v0+s20+$0xFFFFFFF0 ss:$0x1], $0xffff;
	s31 =	sadd.s32 $0x1000, s21;
	[tilespmem:s21+$0x20] =	vst v6  }
0x41: {  	v61 =	vld.idx.msk [tilespmem:v0+s20+$0x0 ss:$0x1], $0xffff;
	[tilespmem:s31+$0x30] =	vst v56  }
0x42: {  	v62 =	vld.idx.msk [tilespmem:v0+s20+$0x10 ss:$0x1], $0xffff;
	s19 =	sadd.s32 $0x1, s19;
	[tilespmem:s31+$0xFFFFFFC0] =	vst v57  }
0x43: {  	v63 =	vld.idx.msk [tilespmem:v0+s20+$0x20 ss:$0x1], $0xffff;
	p0 =	sne.s32 s19, $0x20;
	[tilespmem:s31+$0xFFFFFFD0] =	vst v58  }
.Ltmp4:
0x44: {  	[tilespmem:s31+$0xFFFFFFE0] =	vst v59;
	(pc) =	sbr.rel @p0 .LBB1_3-.Ltmp4, $4  }
0x45: {  	[tilespmem:s31+$0xFFFFFFF0] =	vst v60  }
0x46: {  	[tilespmem:s31+$0x0] =	vst v61  }
0x47: {  	[tilespmem:s31+$0x10] =	vst v62  }
0x48: {  	s16 =	sadd.s32 $0x80, s16;
	s18 =	sadd.s32 $0x200, s18;
	[tilespmem:s31+$0x20] =	vst v63  }
.Ltmp5:
0x49: {  	s15 =	sshll.u32 s15, $0x4;
	(pc) =	sbr.rel .LBB1_7-.Ltmp5, $4  }
0x4a: {  	s15 =	sand.u32 $0x3FFF0, s15  }
0x4b: {  	s14 =	sshll.u32 s14, $0x12;
	s15 =	sadd.s32 s3, s15  }
0x4c: {  	s14 =	sadd.s32 s14, s15  }
0x4d: {  	[hbm4b:s14+s8] =	stream.strided.scatter [tilespmem:s17], [sflag:$0x2], $0x4000, s9, s8, $0x38;
	[tilespmem:$0x10000] =	vst v63  }
.LBB1_8:
0x4e: {  	_ =	sfence.sel $0x180000  }
0x4f: {  	s2 =	simm.s32 $0x1;
	[bflag:$0x0] =	sbarrier.arrive $0xFFFF  }
0x50: {  	s31 =	simm.s32 $0x2;
	[sflag:s2] =	ssyncpa.u1 $0x1  }
0x51: {  	[sflag:s31] =	ssyncpa.u1 $0x1  }
0x52: {  	p0 =	sne.s32 s0, $0x0;
	_ =	strace $0x9000004A  }
0x53: {  	s0 =	sadd.s32 @!p0 $0x100000, s1;
	[bflag:$0x2] =	sbarrier.arrive $0xFFFF  }
0x54: {  	[sflag:s0] =	ssyncadd.tile.s32 @!p0 $0x1;
	_ =	shalt  }
.Lfunc_end1:
_tile_overlayer_lowered:
.L_overlay_start_2:
0x55: {  	(tag) =	ssettag $0x2  }
0x56: {  	s0 =	rddreg [dreg:$0x0];
	s2 =	stileid.u32  }
0x57: {  	s1 =	rddreg [dreg:$0x1];
	p0 =	sne.s32 s2, $0x0  }
0x58: {  	s3 =	rddreg [dreg:$0x2];
	[bflag:$0x3] =	sbarrier.arrive $0xFFFF;
	s2 =	simm.s32 @!p0 $0x1C01  }
0x59: {  	[timem:s3], [sflag:s2] =	dma.local @!p0 [hbm:s0], s1  }
0x5a: {  	s0 =	simm.s32 @!p0 $0x1  }
0x5b: {  	_ =	swait.ge @!p0 [sflag:s0], s1  }
0x5c: {  	s1 =	ssub.s32 @!p0 $0x0, s1;
	[sflag:s0] =	ssyncset.done @!p0 $0x0  }
0x5d: {  	[sflag:s0] =	ssyncadd.s32 @!p0 s1  }
0x5e: {  	[bflag:$0x3] =	sbarrier.arrive $0xFFFF  }
0x5f: {  	_ =	shalt  }

</sc_bundles>
